<compile_context>
chip_gen: v7x
topology: tpu7x:2x2x1
jax: 0.10.2.dev20260603
libtpu: 0.0.44.dev20260713+nightly
codegen_flags: <defaults>
</compile_context>

<pallas_src>
import functools

import jax
import jax.numpy as jnp
from jax import lax
from jax.experimental import pallas as pl
from jax.experimental.pallas import tpu as pltpu
from jax.experimental.pallas import tpu_sc as plsc

D_MODEL = 64
NUM_CORES = 2
NUM_SUBCORES = 16
NUM_WORKERS = NUM_CORES * NUM_SUBCORES
CHUNK = 256
NBUF = 4
LANES = 16
GROUP = 512

REPACK_COLS = 16384
REPACK_GRID = 31
HALF_ROWS = REPACK_COLS * REPACK_GRID
TABLE_ROWS = 2 * HALF_ROWS


def _repack_body(left_ref, right_ref, out_ref):
    lr = jnp.concatenate([left_ref[...], right_ref[...]], axis=0)
    out_ref[...] = jnp.transpose(lr, (1, 0))


@functools.lru_cache(maxsize=None)
def _make_repack(V: int):
    return pl.pallas_call(
        _repack_body,
        grid=(REPACK_GRID,),
        in_specs=[
            pl.BlockSpec((D_MODEL, REPACK_COLS), lambda i: (0, i)),
            pl.BlockSpec((D_MODEL, REPACK_COLS),
                         lambda i: (0, jnp.minimum(i + REPACK_GRID,
                                                   (V - 1) // REPACK_COLS))),
        ],
        out_specs=pl.BlockSpec((REPACK_COLS, 2 * D_MODEL), lambda i: (i, 0)),
        out_shape=jax.ShapeDtypeStruct((HALF_ROWS, 2 * D_MODEL), jnp.float32),
    )


GPB = 16


def _unpack_body(in_ref, out_ref):
    t = jnp.transpose(in_ref[...], (1, 0))
    for g in range(GPB):
        out_ref[0, :, g * GROUP:g * GROUP + GROUP // 2] = (
            t[0:D_MODEL, g * (GROUP // 2):(g + 1) * (GROUP // 2)])
        out_ref[0, :, g * GROUP + GROUP // 2:(g + 1) * GROUP] = (
            t[D_MODEL:2 * D_MODEL, g * (GROUP // 2):(g + 1) * (GROUP // 2)])


@functools.lru_cache(maxsize=None)
def _make_unpack(B: int, H: int):
    span = GROUP * GPB
    gb = B // span
    return pl.pallas_call(
        _unpack_body,
        grid=(H, gb),
        in_specs=[pl.BlockSpec((span // 2, 2 * D_MODEL),
                               lambda h, bb: (h * gb + bb, 0))],
        out_specs=pl.BlockSpec((1, D_MODEL, span), lambda h, bb: (h, 0, bb)),
        out_shape=jax.ShapeDtypeStruct((H, D_MODEL, B), jnp.float32),
    )


@functools.lru_cache(maxsize=None)
def _make_lookup(B: int):
    assert B % (NUM_WORKERS * CHUNK * NBUF) == 0
    b_per_w = B // NUM_WORKERS
    n_chunks = b_per_w // CHUNK
    n_rounds = n_chunks // NBUF
    mesh = plsc.VectorSubcoreMesh(
        core_axis_name="c", subcore_axis_name="s",
        num_cores=NUM_CORES, num_subcores=NUM_SUBCORES)

    @functools.partial(
        pl.kernel,
        out_type=jax.ShapeDtypeStruct((B, D_MODEL), jnp.float32),
        mesh=mesh,
        scratch_types=[
            pltpu.VMEM((b_per_w,), jnp.int32),
            pltpu.VMEM((b_per_w,), jnp.int32),
            pltpu.VMEM((NBUF, CHUNK, D_MODEL), jnp.float32),
        ] + [pltpu.SemaphoreType.DMA] * (2 * NBUF),
        compiler_params=pltpu.CompilerParams(
            use_tc_tiling_on_sc=False, needs_layout_passes=False),
    )
    def lookup(table_hbm, idx_hbm, out_hbm, idx_v, idx_p, rows_v, *sems):
        sem_g = sems[:NBUF]
        sem_o = sems[NBUF:]
        wid = lax.axis_index("s") * NUM_CORES + lax.axis_index("c")
        base = wid * b_per_w
        pltpu.sync_copy(idx_hbm.at[pl.ds(base, b_per_w)], idx_v)

        lane2 = 2 * lax.iota(jnp.int32, LANES)

        def remap(g, carry):
            for sub in range(2):
                for jc in range(GROUP // 2 // LANES):
                    p = g * GROUP + sub * (GROUP // 2) + jc * LANES
                    v = idx_v[pl.ds(p, LANES)]
                    v = jnp.where(v >= HALF_ROWS,
                                  2 * v - (TABLE_ROWS - 1), 2 * v)
                    pos = (g * GROUP + 2 * jc * LANES + sub) + lane2
                    plsc.store_scatter(idx_p, [pos], v)
            return carry

        lax.fori_loop(0, b_per_w // GROUP, remap, 0)

        def gather_desc(i, b):
            return pltpu.make_async_copy(
                table_hbm.at[idx_p.at[pl.ds(i * CHUNK, CHUNK)]],
                rows_v.at[b], sem_g[b])

        def out_desc(i, b):
            return pltpu.make_async_copy(
                rows_v.at[b], out_hbm.at[pl.ds(base + i * CHUNK, CHUNK)],
                sem_o[b])

        for b in range(NBUF):
            gather_desc(b, b).start()

        def body(r, carry):
            for b in range(NBUF):
                i = r * NBUF + b
                gather_desc(i, b).wait()
                out_desc(i, b).start()
            for b in range(NBUF):
                i = r * NBUF + b
                out_desc(i, b).wait()
                gather_desc(i + NBUF, b).start()
            return carry

        lax.fori_loop(0, n_rounds - 1, body, 0)

        r_last = n_rounds - 1
        for b in range(NBUF):
            i = r_last * NBUF + b
            gather_desc(i, b).wait()
            out_desc(i, b).start()
        for b in range(NBUF):
            out_desc(r_last * NBUF + b, b).wait()

    return lookup


@jax.jit
def kernel(x, weight):
    B, H = x.shape
    V = weight.shape[0]
    flat = jnp.transpose(x).reshape(B * H).astype(jnp.int32)
    wt = jnp.transpose(weight)
    table = _make_repack(V)(wt, wt).reshape(TABLE_ROWS, D_MODEL)
    out_lin = _make_lookup(B * H)(table, flat)
    out_t = _make_unpack(B, H)(out_lin.reshape(B * H // 2, 2 * D_MODEL))
    return jnp.transpose(out_t, (2, 0, 1))

# --- scband reference (transcript-rebuilt; emitter-appended) ---
"""Pipeline reference for scband-embedding-48996986913230 (READ-ONLY COPY).

The authoritative reference and input builder live on the scoring server;
editing this copy changes nothing except your own understanding.
"""

import jax, jax.numpy as jnp
import numpy as np

VOCAB = 1000000
D_MODEL = 64
BATCH = 16384
HIST = 50

def setup_inputs(seed: int = 0) -> dict:
    key = jax.random.key(seed)
    k_idx, k_w = jax.random.split(key)
    x = jax.random.randint(k_idx, (BATCH, HIST), 0, VOCAB, dtype=jnp.int64 if jax.config.jax_enable_x64 else jnp.int32)
    # truncated normal init, mean=0 std=1, truncated at [-3, 3]
    weight = jax.random.truncated_normal(k_w, -3.0, 3.0, (VOCAB, D_MODEL), dtype=jnp.float32)
    return {"x": x, "weight": weight}

def reference(x, weight):
    # Embedding lookup: weight[x]
    return jnp.take(weight, x, axis=0)

if __name__ == "__main__":
    import jax
    _d = setup_inputs()
    print(jax.jit(kernel)(*tuple(_d.values())))

</pallas_src>

<mosaic_0001>
#map = affine_map<(d0, d1) -> (0, 0)>
#map1 = affine_map<(d0, d1) -> (0)>
module attributes {stable_mosaic.version = 14 : i64} {
  func.func @lookup(%arg0: i32, %arg1: i32, %arg2: memref<1015808x64xf32, #tpu.memory_space<hbm>>, %arg3: memref<819200xi32, #tpu.memory_space<hbm>>, %arg4: memref<819200x64xf32, #tpu.memory_space<hbm>>, %arg5: memref<25600xi32, #tpu.memory_space<vmem>>, %arg6: memref<25600xi32, #tpu.memory_space<vmem>>, %arg7: memref<4x256x64xf32, #tpu.memory_space<vmem>>, %arg8: memref<!tpu.dma_semaphore, #tpu.memory_space<semaphore_mem>>, %arg9: memref<!tpu.dma_semaphore, #tpu.memory_space<semaphore_mem>>, %arg10: memref<!tpu.dma_semaphore, #tpu.memory_space<semaphore_mem>>, %arg11: memref<!tpu.dma_semaphore, #tpu.memory_space<semaphore_mem>>, %arg12: memref<!tpu.dma_semaphore, #tpu.memory_space<semaphore_mem>>, %arg13: memref<!tpu.dma_semaphore, #tpu.memory_space<semaphore_mem>>, %arg14: memref<!tpu.dma_semaphore, #tpu.memory_space<semaphore_mem>>, %arg15: memref<!tpu.dma_semaphore, #tpu.memory_space<semaphore_mem>>) attributes {dimension_semantics = [#tpu.dimension_semantics<core_parallel>, #tpu.dimension_semantics<subcore_parallel>], iteration_bounds = array<i64: 2, 16>, scalar_prefetch = 0 : i64, scratch_operands = 11 : i64, tpu.core_type = #tpu.core_type<sc_vector_subcore>, window_params = [{transform_indices = #map}, {transform_indices = #map1}, {transform_indices = #map}]} {
    %mul3A = arith.constant 2 : i32
    %mul3A_0 = arith.muli %arg1, %mul3A : i32
    %add3A = arith.addi %mul3A_0, %arg0 : i32
    %mul3A_1 = arith.constant 25600 : i32
    %mul3A_2 = arith.muli %add3A, %mul3A_1 : i32
    "tpu.region"() ({
      %run_scoped3A = tpu.sem_alloc : memref<!tpu.dma_semaphore, #tpu.memory_space<semaphore_mem>>
      %dma_start3A_215 = tpu.memref_slice %arg3[%mul3A_2] : memref<819200xi32, #tpu.memory_space<hbm>> -> memref<25600xi32, #tpu.memory_space<hbm>>
      %dma_start3A_216 = tpu.memref_slice %arg3[%mul3A_2] : memref<819200xi32, #tpu.memory_space<hbm>> -> memref<25600xi32, #tpu.memory_space<hbm>>
      tpu.enqueue_dma source(%dma_start3A_216 : memref<25600xi32, #tpu.memory_space<hbm>>) target(%arg5 : memref<25600xi32, #tpu.memory_space<vmem>>) target_semaphore(%run_scoped3A : memref<!tpu.dma_semaphore, #tpu.memory_space<semaphore_mem>>)
      %dma_wait3A_217 = tpu.memref_slice %arg3[%mul3A_2] : memref<819200xi32, #tpu.memory_space<hbm>> -> memref<25600xi32, #tpu.memory_space<hbm>>
      %dma_wait3A_218 = tpu.memref_slice %arg3[%mul3A_2] : memref<819200xi32, #tpu.memory_space<hbm>> -> memref<25600xi32, #tpu.memory_space<hbm>>
      tpu.wait_dma2 semaphore(%run_scoped3A : memref<!tpu.dma_semaphore, #tpu.memory_space<semaphore_mem>>) src(%dma_wait3A_218 : memref<25600xi32, #tpu.memory_space<hbm>>) dst(%arg5 : memref<25600xi32, #tpu.memory_space<vmem>>)
      tpu.yield
    }) : () -> ()
    %iota3A = tpu.iota {dimensions = array<i32: 0>} : vector<16xi32>
    %mul3A_3 = arith.constant 2 : i32
    %mul3A_4 = vector.broadcast %mul3A_3 : i32 to vector<16xi32>
    %mul3A_5 = arith.muli %mul3A_4, %iota3A : vector<16xi32>
    %scan3A = arith.constant 0 : i32
    %scan3A_6 = arith.constant 0 : i32
    %scan3A_7 = arith.constant 50 : i32
    %scan3A_8 = arith.addi %scan3A_6, %scan3A_7 : i32
    %scan3A_9 = arith.constant 1 : i32
    scf.for %scan3A_215 = %scan3A_6 to %scan3A_8 step %scan3A_9  : i32 {
      %mul3A_216 = arith.constant 512 : i32
      %mul3A_217 = arith.muli %scan3A_215, %mul3A_216 : i32
      %add3A_218 = arith.constant 0 : i32
      %add3A_219 = arith.addi %mul3A_217, %add3A_218 : i32
      %add3A_220 = arith.constant 0 : i32
      %add3A_221 = arith.addi %add3A_219, %add3A_220 : i32
      %get3A = arith.index_cast %add3A_221 : i32 to index
      %get3A_222 = tpu.vector_load %arg5[%get3A] {strides = array<i32>} : memref<25600xi32, #tpu.memory_space<vmem>>, vector<16xi32>,
      %ge3A = arith.constant 507904 : i32
      %ge3A_223 = vector.broadcast %ge3A : i32 to vector<16xi32>
      %ge3A_224 = arith.cmpi sge, %get3A_222, %ge3A_223 : vector<16xi32>
      %mul3A_225 = arith.constant 2 : i32
      %mul3A_226 = vector.broadcast %mul3A_225 : i32 to vector<16xi32>
      %mul3A_227 = arith.muli %mul3A_226, %get3A_222 : vector<16xi32>
      %sub3A = arith.constant 1015807 : i32
      %sub3A_228 = vector.broadcast %sub3A : i32 to vector<16xi32>
      %sub3A_229 = arith.subi %mul3A_227, %sub3A_228 : vector<16xi32>
      %mul3A_230 = arith.constant 2 : i32
      %mul3A_231 = vector.broadcast %mul3A_230 : i32 to vector<16xi32>
      %mul3A_232 = arith.muli %mul3A_231, %get3A_222 : vector<16xi32>
      %select_n3A = arith.select %ge3A_224, %sub3A_229, %mul3A_232 : vector<16xi1>, vector<16xi32>
      %mul3A_233 = arith.constant 512 : i32
      %mul3A_234 = arith.muli %scan3A_215, %mul3A_233 : i32
      %add3A_235 = arith.constant 0 : i32
      %add3A_236 = arith.addi %mul3A_234, %add3A_235 : i32
      %add3A_237 = arith.constant 0 : i32
      %add3A_238 = arith.addi %add3A_236, %add3A_237 : i32
      %add3A_239 = vector.broadcast %add3A_238 : i32 to vector<16xi32>
      %add3A_240 = arith.addi %add3A_239, %mul3A_5 : vector<16xi32>
      tpu.vector_store_idx %arg6[%add3A_240], %select_n3A : memref<25600xi32, #tpu.memory_space<vmem>>[vector<16xi32>], vector<16xi32>,
      %mul3A_241 = arith.constant 512 : i32
      %mul3A_242 = arith.muli %scan3A_215, %mul3A_241 : i32
      %add3A_243 = arith.constant 0 : i32
      %add3A_244 = arith.addi %mul3A_242, %add3A_243 : i32
      %add3A_245 = arith.constant 16 : i32
      %add3A_246 = arith.addi %add3A_244, %add3A_245 : i32
      %get3A_247 = arith.index_cast %add3A_246 : i32 to index
      %get3A_248 = tpu.vector_load %arg5[%get3A_247] {strides = array<i32>} : memref<25600xi32, #tpu.memory_space<vmem>>, vector<16xi32>,
      %ge3A_249 = arith.constant 507904 : i32
      %ge3A_250 = vector.broadcast %ge3A_249 : i32 to vector<16xi32>
      %ge3A_251 = arith.cmpi sge, %get3A_248, %ge3A_250 : vector<16xi32>
      %mul3A_252 = arith.constant 2 : i32
      %mul3A_253 = vector.broadcast %mul3A_252 : i32 to vector<16xi32>
      %mul3A_254 = arith.muli %mul3A_253, %get3A_248 : vector<16xi32>
      %sub3A_255 = arith.constant 1015807 : i32
      %sub3A_256 = vector.broadcast %sub3A_255 : i32 to vector<16xi32>
      %sub3A_257 = arith.subi %mul3A_254, %sub3A_256 : vector<16xi32>
      %mul3A_258 = arith.constant 2 : i32
      %mul3A_259 = vector.broadcast %mul3A_258 : i32 to vector<16xi32>
      %mul3A_260 = arith.muli %mul3A_259, %get3A_248 : vector<16xi32>
      %select_n3A_261 = arith.select %ge3A_251, %sub3A_257, %mul3A_260 : vector<16xi1>, vector<16xi32>
      %mul3A_262 = arith.constant 512 : i32
      %mul3A_263 = arith.muli %scan3A_215, %mul3A_262 : i32
      %add3A_264 = arith.constant 32 : i32
      %add3A_265 = arith.addi %mul3A_263, %add3A_264 : i32
      %add3A_266 = arith.constant 0 : i32
      %add3A_267 = arith.addi %add3A_265, %add3A_266 : i32
      %add3A_268 = vector.broadcast %add3A_267 : i32 to vector<16xi32>
      %add3A_269 = arith.addi %add3A_268, %mul3A_5 : vector<16xi32>
      tpu.vector_store_idx %arg6[%add3A_269], %select_n3A_261 : memref<25600xi32, #tpu.memory_space<vmem>>[vector<16xi32>], vector<16xi32>,
      %mul3A_270 = arith.constant 512 : i32
      %mul3A_271 = arith.muli %scan3A_215, %mul3A_270 : i32
      %add3A_272 = arith.constant 0 : i32
      %add3A_273 = arith.addi %mul3A_271, %add3A_272 : i32
      %add3A_274 = arith.constant 32 : i32
      %add3A_275 = arith.addi %add3A_273, %add3A_274 : i32
      %get3A_276 = arith.index_cast %add3A_275 : i32 to index
      %get3A_277 = tpu.vector_load %arg5[%get3A_276] {strides = array<i32>} : memref<25600xi32, #tpu.memory_space<vmem>>, vector<16xi32>,
      %ge3A_278 = arith.constant 507904 : i32
      %ge3A_279 = vector.broadcast %ge3A_278 : i32 to vector<16xi32>
      %ge3A_280 = arith.cmpi sge, %get3A_277, %ge3A_279 : vector<16xi32>
      %mul3A_281 = arith.constant 2 : i32
      %mul3A_282 = vector.broadcast %mul3A_281 : i32 to vector<16xi32>
      %mul3A_283 = arith.muli %mul3A_282, %get3A_277 : vector<16xi32>
      %sub3A_284 = arith.constant 1015807 : i32
      %sub3A_285 = vector.broadcast %sub3A_284 : i32 to vector<16xi32>
      %sub3A_286 = arith.subi %mul3A_283, %sub3A_285 : vector<16xi32>
      %mul3A_287 = arith.constant 2 : i32
      %mul3A_288 = vector.broadcast %mul3A_287 : i32 to vector<16xi32>
      %mul3A_289 = arith.muli %mul3A_288, %get3A_277 : vector<16xi32>
      %select_n3A_290 = arith.select %ge3A_280, %sub3A_286, %mul3A_289 : vector<16xi1>, vector<16xi32>
      %mul3A_291 = arith.constant 512 : i32
      %mul3A_292 = arith.muli %scan3A_215, %mul3A_291 : i32
      %add3A_293 = arith.constant 64 : i32
      %add3A_294 = arith.addi %mul3A_292, %add3A_293 : i32
      %add3A_295 = arith.constant 0 : i32
      %add3A_296 = arith.addi %add3A_294, %add3A_295 : i32
      %add3A_297 = vector.broadcast %add3A_296 : i32 to vector<16xi32>
      %add3A_298 = arith.addi %add3A_297, %mul3A_5 : vector<16xi32>
      tpu.vector_store_idx %arg6[%add3A_298], %select_n3A_290 : memref<25600xi32, #tpu.memory_space<vmem>>[vector<16xi32>], vector<16xi32>,
      %mul3A_299 = arith.constant 512 : i32
      %mul3A_300 = arith.muli %scan3A_215, %mul3A_299 : i32
      %add3A_301 = arith.constant 0 : i32
      %add3A_302 = arith.addi %mul3A_300, %add3A_301 : i32
      %add3A_303 = arith.constant 48 : i32
      %add3A_304 = arith.addi %add3A_302, %add3A_303 : i32
      %get3A_305 = arith.index_cast %add3A_304 : i32 to index
      %get3A_306 = tpu.vector_load %arg5[%get3A_305] {strides = array<i32>} : memref<25600xi32, #tpu.memory_space<vmem>>, vector<16xi32>,
      %ge3A_307 = arith.constant 507904 : i32
      %ge3A_308 = vector.broadcast %ge3A_307 : i32 to vector<16xi32>
      %ge3A_309 = arith.cmpi sge, %get3A_306, %ge3A_308 : vector<16xi32>
      %mul3A_310 = arith.constant 2 : i32
      %mul3A_311 = vector.broadcast %mul3A_310 : i32 to vector<16xi32>
      %mul3A_312 = arith.muli %mul3A_311, %get3A_306 : vector<16xi32>
      %sub3A_313 = arith.constant 1015807 : i32
      %sub3A_314 = vector.broadcast %sub3A_313 : i32 to vector<16xi32>
      %sub3A_315 = arith.subi %mul3A_312, %sub3A_314 : vector<16xi32>
      %mul3A_316 = arith.constant 2 : i32
      %mul3A_317 = vector.broadcast %mul3A_316 : i32 to vector<16xi32>
      %mul3A_318 = arith.muli %mul3A_317, %get3A_306 : vector<16xi32>
      %select_n3A_319 = arith.select %ge3A_309, %sub3A_315, %mul3A_318 : vector<16xi1>, vector<16xi32>
      %mul3A_320 = arith.constant 512 : i32
      %mul3A_321 = arith.muli %scan3A_215, %mul3A_320 : i32
      %add3A_322 = arith.constant 96 : i32
      %add3A_323 = arith.addi %mul3A_321, %add3A_322 : i32
      %add3A_324 = arith.constant 0 : i32
      %add3A_325 = arith.addi %add3A_323, %add3A_324 : i32
      %add3A_326 = vector.broadcast %add3A_325 : i32 to vector<16xi32>
      %add3A_327 = arith.addi %add3A_326, %mul3A_5 : vector<16xi32>
      tpu.vector_store_idx %arg6[%add3A_327], %select_n3A_319 : memref<25600xi32, #tpu.memory_space<vmem>>[vector<16xi32>], vector<16xi32>,
      %mul3A_328 = arith.constant 512 : i32
      %mul3A_329 = arith.muli %scan3A_215, %mul3A_328 : i32
      %add3A_330 = arith.constant 0 : i32
      %add3A_331 = arith.addi %mul3A_329, %add3A_330 : i32
      %add3A_332 = arith.constant 64 : i32
      %add3A_333 = arith.addi %add3A_331, %add3A_332 : i32
      %get3A_334 = arith.index_cast %add3A_333 : i32 to index
      %get3A_335 = tpu.vector_load %arg5[%get3A_334] {strides = array<i32>} : memref<25600xi32, #tpu.memory_space<vmem>>, vector<16xi32>,
      %ge3A_336 = arith.constant 507904 : i32
      %ge3A_337 = vector.broadcast %ge3A_336 : i32 to vector<16xi32>
      %ge3A_338 = arith.cmpi sge, %get3A_335, %ge3A_337 : vector<16xi32>
      %mul3A_339 = arith.constant 2 : i32
      %mul3A_340 = vector.broadcast %mul3A_339 : i32 to vector<16xi32>
      %mul3A_341 = arith.muli %mul3A_340, %get3A_335 : vector<16xi32>
      %sub3A_342 = arith.constant 1015807 : i32
      %sub3A_343 = vector.broadcast %sub3A_342 : i32 to vector<16xi32>
      %sub3A_344 = arith.subi %mul3A_341, %sub3A_343 : vector<16xi32>
      %mul3A_345 = arith.constant 2 : i32
      %mul3A_346 = vector.broadcast %mul3A_345 : i32 to vector<16xi32>
      %mul3A_347 = arith.muli %mul3A_346, %get3A_335 : vector<16xi32>
      %select_n3A_348 = arith.select %ge3A_338, %sub3A_344, %mul3A_347 : vector<16xi1>, vector<16xi32>
      %mul3A_349 = arith.constant 512 : i32
      %mul3A_350 = arith.muli %scan3A_215, %mul3A_349 : i32
      %add3A_351 = arith.constant 128 : i32
      %add3A_352 = arith.addi %mul3A_350, %add3A_351 : i32
      %add3A_353 = arith.constant 0 : i32
      %add3A_354 = arith.addi %add3A_352, %add3A_353 : i32
      %add3A_355 = vector.broadcast %add3A_354 : i32 to vector<16xi32>
      %add3A_356 = arith.addi %add3A_355, %mul3A_5 : vector<16xi32>
      tpu.vector_store_idx %arg6[%add3A_356], %select_n3A_348 : memref<25600xi32, #tpu.memory_space<vmem>>[vector<16xi32>], vector<16xi32>,
      %mul3A_357 = arith.constant 512 : i32
      %mul3A_358 = arith.muli %scan3A_215, %mul3A_357 : i32
      %add3A_359 = arith.constant 0 : i32
      %add3A_360 = arith.addi %mul3A_358, %add3A_359 : i32
      %add3A_361 = arith.constant 80 : i32
      %add3A_362 = arith.addi %add3A_360, %add3A_361 : i32
      %get3A_363 = arith.index_cast %add3A_362 : i32 to index
      %get3A_364 = tpu.vector_load %arg5[%get3A_363] {strides = array<i32>} : memref<25600xi32, #tpu.memory_space<vmem>>, vector<16xi32>,
      %ge3A_365 = arith.constant 507904 : i32
      %ge3A_366 = vector.broadcast %ge3A_365 : i32 to vector<16xi32>
      %ge3A_367 = arith.cmpi sge, %get3A_364, %ge3A_366 : vector<16xi32>
      %mul3A_368 = arith.constant 2 : i32
      %mul3A_369 = vector.broadcast %mul3A_368 : i32 to vector<16xi32>
      %mul3A_370 = arith.muli %mul3A_369, %get3A_364 : vector<16xi32>
      %sub3A_371 = arith.constant 1015807 : i32
      %sub3A_372 = vector.broadcast %sub3A_371 : i32 to vector<16xi32>
      %sub3A_373 = arith.subi %mul3A_370, %sub3A_372 : vector<16xi32>
      %mul3A_374 = arith.constant 2 : i32
      %mul3A_375 = vector.broadcast %mul3A_374 : i32 to vector<16xi32>
      %mul3A_376 = arith.muli %mul3A_375, %get3A_364 : vector<16xi32>
      %select_n3A_377 = arith.select %ge3A_367, %sub3A_373, %mul3A_376 : vector<16xi1>, vector<16xi32>
      %mul3A_378 = arith.constant 512 : i32
      %mul3A_379 = arith.muli %scan3A_215, %mul3A_378 : i32
      %add3A_380 = arith.constant 160 : i32
      %add3A_381 = arith.addi %mul3A_379, %add3A_380 : i32
      %add3A_382 = arith.constant 0 : i32
      %add3A_383 = arith.addi %add3A_381, %add3A_382 : i32
      %add3A_384 = vector.broadcast %add3A_383 : i32 to vector<16xi32>
      %add3A_385 = arith.addi %add3A_384, %mul3A_5 : vector<16xi32>
      tpu.vector_store_idx %arg6[%add3A_385], %select_n3A_377 : memref<25600xi32, #tpu.memory_space<vmem>>[vector<16xi32>], vector<16xi32>,
      %mul3A_386 = arith.constant 512 : i32
      %mul3A_387 = arith.muli %scan3A_215, %mul3A_386 : i32
      %add3A_388 = arith.constant 0 : i32
      %add3A_389 = arith.addi %mul3A_387, %add3A_388 : i32
      %add3A_390 = arith.constant 96 : i32
      %add3A_391 = arith.addi %add3A_389, %add3A_390 : i32
      %get3A_392 = arith.index_cast %add3A_391 : i32 to index
      %get3A_393 = tpu.vector_load %arg5[%get3A_392] {strides = array<i32>} : memref<25600xi32, #tpu.memory_space<vmem>>, vector<16xi32>,
      %ge3A_394 = arith.constant 507904 : i32
      %ge3A_395 = vector.broadcast %ge3A_394 : i32 to vector<16xi32>
      %ge3A_396 = arith.cmpi sge, %get3A_393, %ge3A_395 : vector<16xi32>
      %mul3A_397 = arith.constant 2 : i32
      %mul3A_398 = vector.broadcast %mul3A_397 : i32 to vector<16xi32>
      %mul3A_399 = arith.muli %mul3A_398, %get3A_393 : vector<16xi32>
      %sub3A_400 = arith.constant 1015807 : i32
      %sub3A_401 = vector.broadcast %sub3A_400 : i32 to vector<16xi32>
      %sub3A_402 = arith.subi %mul3A_399, %sub3A_401 : vector<16xi32>
      %mul3A_403 = arith.constant 2 : i32
      %mul3A_404 = vector.broadcast %mul3A_403 : i32 to vector<16xi32>
      %mul3A_405 = arith.muli %mul3A_404, %get3A_393 : vector<16xi32>
      %select_n3A_406 = arith.select %ge3A_396, %sub3A_402, %mul3A_405 : vector<16xi1>, vector<16xi32>
      %mul3A_407 = arith.constant 512 : i32
      %mul3A_408 = arith.muli %scan3A_215, %mul3A_407 : i32
      %add3A_409 = arith.constant 192 : i32
      %add3A_410 = arith.addi %mul3A_408, %add3A_409 : i32
      %add3A_411 = arith.constant 0 : i32
      %add3A_412 = arith.addi %add3A_410, %add3A_411 : i32
      %add3A_413 = vector.broadcast %add3A_412 : i32 to vector<16xi32>
      %add3A_414 = arith.addi %add3A_413, %mul3A_5 : vector<16xi32>
      tpu.vector_store_idx %arg6[%add3A_414], %select_n3A_406 : memref<25600xi32, #tpu.memory_space<vmem>>[vector<16xi32>], vector<16xi32>,
      %mul3A_415 = arith.constant 512 : i32
      %mul3A_416 = arith.muli %scan3A_215, %mul3A_415 : i32
      %add3A_417 = arith.constant 0 : i32
      %add3A_418 = arith.addi %mul3A_416, %add3A_417 : i32
      %add3A_419 = arith.constant 112 : i32
      %add3A_420 = arith.addi %add3A_418, %add3A_419 : i32
      %get3A_421 = arith.index_cast %add3A_420 : i32 to index
      %get3A_422 = tpu.vector_load %arg5[%get3A_421] {strides = array<i32>} : memref<25600xi32, #tpu.memory_space<vmem>>, vector<16xi32>,
      %ge3A_423 = arith.constant 507904 : i32
      %ge3A_424 = vector.broadcast %ge3A_423 : i32 to vector<16xi32>
      %ge3A_425 = arith.cmpi sge, %get3A_422, %ge3A_424 : vector<16xi32>
      %mul3A_426 = arith.constant 2 : i32
      %mul3A_427 = vector.broadcast %mul3A_426 : i32 to vector<16xi32>
      %mul3A_428 = arith.muli %mul3A_427, %get3A_422 : vector<16xi32>
      %sub3A_429 = arith.constant 1015807 : i32
      %sub3A_430 = vector.broadcast %sub3A_429 : i32 to vector<16xi32>
      %sub3A_431 = arith.subi %mul3A_428, %sub3A_430 : vector<16xi32>
      %mul3A_432 = arith.constant 2 : i32
      %mul3A_433 = vector.broadcast %mul3A_432 : i32 to vector<16xi32>
      %mul3A_434 = arith.muli %mul3A_433, %get3A_422 : vector<16xi32>
      %select_n3A_435 = arith.select %ge3A_425, %sub3A_431, %mul3A_434 : vector<16xi1>, vector<16xi32>
      %mul3A_436 = arith.constant 512 : i32
      %mul3A_437 = arith.muli %scan3A_215, %mul3A_436 : i32
      %add3A_438 = arith.constant 224 : i32
      %add3A_439 = arith.addi %mul3A_437, %add3A_438 : i32
      %add3A_440 = arith.constant 0 : i32
      %add3A_441 = arith.addi %add3A_439, %add3A_440 : i32
      %add3A_442 = vector.broadcast %add3A_441 : i32 to vector<16xi32>
      %add3A_443 = arith.addi %add3A_442, %mul3A_5 : vector<16xi32>
      tpu.vector_store_idx %arg6[%add3A_443], %select_n3A_435 : memref<25600xi32, #tpu.memory_space<vmem>>[vector<16xi32>], vector<16xi32>,
      %mul3A_444 = arith.constant 512 : i32
      %mul3A_445 = arith.muli %scan3A_215, %mul3A_444 : i32
      %add3A_446 = arith.constant 0 : i32
      %add3A_447 = arith.addi %mul3A_445, %add3A_446 : i32
      %add3A_448 = arith.constant 128 : i32
      %add3A_449 = arith.addi %add3A_447, %add3A_448 : i32
      %get3A_450 = arith.index_cast %add3A_449 : i32 to index
      %get3A_451 = tpu.vector_load %arg5[%get3A_450] {strides = array<i32>} : memref<25600xi32, #tpu.memory_space<vmem>>, vector<16xi32>,
      %ge3A_452 = arith.constant 507904 : i32
      %ge3A_453 = vector.broadcast %ge3A_452 : i32 to vector<16xi32>
      %ge3A_454 = arith.cmpi sge, %get3A_451, %ge3A_453 : vector<16xi32>
      %mul3A_455 = arith.constant 2 : i32
      %mul3A_456 = vector.broadcast %mul3A_455 : i32 to vector<16xi32>
      %mul3A_457 = arith.muli %mul3A_456, %get3A_451 : vector<16xi32>
      %sub3A_458 = arith.constant 1015807 : i32
      %sub3A_459 = vector.broadcast %sub3A_458 : i32 to vector<16xi32>
      %sub3A_460 = arith.subi %mul3A_457, %sub3A_459 : vector<16xi32>
      %mul3A_461 = arith.constant 2 : i32
      %mul3A_462 = vector.broadcast %mul3A_461 : i32 to vector<16xi32>
      %mul3A_463 = arith.muli %mul3A_462, %get3A_451 : vector<16xi32>
      %select_n3A_464 = arith.select %ge3A_454, %sub3A_460, %mul3A_463 : vector<16xi1>, vector<16xi32>
      %mul3A_465 = arith.constant 512 : i32
      %mul3A_466 = arith.muli %scan3A_215, %mul3A_465 : i32
      %add3A_467 = arith.constant 256 : i32
      %add3A_468 = arith.addi %mul3A_466, %add3A_467 : i32
      %add3A_469 = arith.constant 0 : i32
      %add3A_470 = arith.addi %add3A_468, %add3A_469 : i32
      %add3A_471 = vector.broadcast %add3A_470 : i32 to vector<16xi32>
      %add3A_472 = arith.addi %add3A_471, %mul3A_5 : vector<16xi32>
      tpu.vector_store_idx %arg6[%add3A_472], %select_n3A_464 : memref<25600xi32, #tpu.memory_space<vmem>>[vector<16xi32>], vector<16xi32>,
      %mul3A_473 = arith.constant 512 : i32
      %mul3A_474 = arith.muli %scan3A_215, %mul3A_473 : i32
      %add3A_475 = arith.constant 0 : i32
      %add3A_476 = arith.addi %mul3A_474, %add3A_475 : i32
      %add3A_477 = arith.constant 144 : i32
      %add3A_478 = arith.addi %add3A_476, %add3A_477 : i32
      %get3A_479 = arith.index_cast %add3A_478 : i32 to index
      %get3A_480 = tpu.vector_load %arg5[%get3A_479] {strides = array<i32>} : memref<25600xi32, #tpu.memory_space<vmem>>, vector<16xi32>,
      %ge3A_481 = arith.constant 507904 : i32
      %ge3A_482 = vector.broadcast %ge3A_481 : i32 to vector<16xi32>
      %ge3A_483 = arith.cmpi sge, %get3A_480, %ge3A_482 : vector<16xi32>
      %mul3A_484 = arith.constant 2 : i32
      %mul3A_485 = vector.broadcast %mul3A_484 : i32 to vector<16xi32>
      %mul3A_486 = arith.muli %mul3A_485, %get3A_480 : vector<16xi32>
      %sub3A_487 = arith.constant 1015807 : i32
      %sub3A_488 = vector.broadcast %sub3A_487 : i32 to vector<16xi32>
      %sub3A_489 = arith.subi %mul3A_486, %sub3A_488 : vector<16xi32>
      %mul3A_490 = arith.constant 2 : i32
      %mul3A_491 = vector.broadcast %mul3A_490 : i32 to vector<16xi32>
      %mul3A_492 = arith.muli %mul3A_491, %get3A_480 : vector<16xi32>
      %select_n3A_493 = arith.select %ge3A_483, %sub3A_489, %mul3A_492 : vector<16xi1>, vector<16xi32>
      %mul3A_494 = arith.constant 512 : i32
      %mul3A_495 = arith.muli %scan3A_215, %mul3A_494 : i32
      %add3A_496 = arith.constant 288 : i32
      %add3A_497 = arith.addi %mul3A_495, %add3A_496 : i32
      %add3A_498 = arith.constant 0 : i32
      %add3A_499 = arith.addi %add3A_497, %add3A_498 : i32
      %add3A_500 = vector.broadcast %add3A_499 : i32 to vector<16xi32>
      %add3A_501 = arith.addi %add3A_500, %mul3A_5 : vector<16xi32>
      tpu.vector_store_idx %arg6[%add3A_501], %select_n3A_493 : memref<25600xi32, #tpu.memory_space<vmem>>[vector<16xi32>], vector<16xi32>,
      %mul3A_502 = arith.constant 512 : i32
      %mul3A_503 = arith.muli %scan3A_215, %mul3A_502 : i32
      %add3A_504 = arith.constant 0 : i32
      %add3A_505 = arith.addi %mul3A_503, %add3A_504 : i32
      %add3A_506 = arith.constant 160 : i32
      %add3A_507 = arith.addi %add3A_505, %add3A_506 : i32
      %get3A_508 = arith.index_cast %add3A_507 : i32 to index
      %get3A_509 = tpu.vector_load %arg5[%get3A_508] {strides = array<i32>} : memref<25600xi32, #tpu.memory_space<vmem>>, vector<16xi32>,
      %ge3A_510 = arith.constant 507904 : i32
      %ge3A_511 = vector.broadcast %ge3A_510 : i32 to vector<16xi32>
      %ge3A_512 = arith.cmpi sge, %get3A_509, %ge3A_511 : vector<16xi32>
      %mul3A_513 = arith.constant 2 : i32
      %mul3A_514 = vector.broadcast %mul3A_513 : i32 to vector<16xi32>
      %mul3A_515 = arith.muli %mul3A_514, %get3A_509 : vector<16xi32>
      %sub3A_516 = arith.constant 1015807 : i32
      %sub3A_517 = vector.broadcast %sub3A_516 : i32 to vector<16xi32>
      %sub3A_518 = arith.subi %mul3A_515, %sub3A_517 : vector<16xi32>
      %mul3A_519 = arith.constant 2 : i32
      %mul3A_520 = vector.broadcast %mul3A_519 : i32 to vector<16xi32>
      %mul3A_521 = arith.muli %mul3A_520, %get3A_509 : vector<16xi32>
      %select_n3A_522 = arith.select %ge3A_512, %sub3A_518, %mul3A_521 : vector<16xi1>, vector<16xi32>
      %mul3A_523 = arith.constant 512 : i32
      %mul3A_524 = arith.muli %scan3A_215, %mul3A_523 : i32
      %add3A_525 = arith.constant 320 : i32
      %add3A_526 = arith.addi %mul3A_524, %add3A_525 : i32
      %add3A_527 = arith.constant 0 : i32
      %add3A_528 = arith.addi %add3A_526, %add3A_527 : i32
      %add3A_529 = vector.broadcast %add3A_528 : i32 to vector<16xi32>
      %add3A_530 = arith.addi %add3A_529, %mul3A_5 : vector<16xi32>
      tpu.vector_store_idx %arg6[%add3A_530], %select_n3A_522 : memref<25600xi32, #tpu.memory_space<vmem>>[vector<16xi32>], vector<16xi32>,
      %mul3A_531 = arith.constant 512 : i32
      %mul3A_532 = arith.muli %scan3A_215, %mul3A_531 : i32
      %add3A_533 = arith.constant 0 : i32
      %add3A_534 = arith.addi %mul3A_532, %add3A_533 : i32
      %add3A_535 = arith.constant 176 : i32
      %add3A_536 = arith.addi %add3A_534, %add3A_535 : i32
      %get3A_537 = arith.index_cast %add3A_536 : i32 to index
      %get3A_538 = tpu.vector_load %arg5[%get3A_537] {strides = array<i32>} : memref<25600xi32, #tpu.memory_space<vmem>>, vector<16xi32>,
      %ge3A_539 = arith.constant 507904 : i32
      %ge3A_540 = vector.broadcast %ge3A_539 : i32 to vector<16xi32>
      %ge3A_541 = arith.cmpi sge, %get3A_538, %ge3A_540 : vector<16xi32>
      %mul3A_542 = arith.constant 2 : i32
      %mul3A_543 = vector.broadcast %mul3A_542 : i32 to vector<16xi32>
      %mul3A_544 = arith.muli %mul3A_543, %get3A_538 : vector<16xi32>
      %sub3A_545 = arith.constant 1015807 : i32
      %sub3A_546 = vector.broadcast %sub3A_545 : i32 to vector<16xi32>
      %sub3A_547 = arith.subi %mul3A_544, %sub3A_546 : vector<16xi32>
      %mul3A_548 = arith.constant 2 : i32
      %mul3A_549 = vector.broadcast %mul3A_548 : i32 to vector<16xi32>
      %mul3A_550 = arith.muli %mul3A_549, %get3A_538 : vector<16xi32>
      %select_n3A_551 = arith.select %ge3A_541, %sub3A_547, %mul3A_550 : vector<16xi1>, vector<16xi32>
      %mul3A_552 = arith.constant 512 : i32
      %mul3A_553 = arith.muli %scan3A_215, %mul3A_552 : i32
      %add3A_554 = arith.constant 352 : i32
      %add3A_555 = arith.addi %mul3A_553, %add3A_554 : i32
      %add3A_556 = arith.constant 0 : i32
      %add3A_557 = arith.addi %add3A_555, %add3A_556 : i32
      %add3A_558 = vector.broadcast %add3A_557 : i32 to vector<16xi32>
      %add3A_559 = arith.addi %add3A_558, %mul3A_5 : vector<16xi32>
      tpu.vector_store_idx %arg6[%add3A_559], %select_n3A_551 : memref<25600xi32, #tpu.memory_space<vmem>>[vector<16xi32>], vector<16xi32>,
      %mul3A_560 = arith.constant 512 : i32
      %mul3A_561 = arith.muli %scan3A_215, %mul3A_560 : i32
      %add3A_562 = arith.constant 0 : i32
      %add3A_563 = arith.addi %mul3A_561, %add3A_562 : i32
      %add3A_564 = arith.constant 192 : i32
      %add3A_565 = arith.addi %add3A_563, %add3A_564 : i32
      %get3A_566 = arith.index_cast %add3A_565 : i32 to index
      %get3A_567 = tpu.vector_load %arg5[%get3A_566] {strides = array<i32>} : memref<25600xi32, #tpu.memory_space<vmem>>, vector<16xi32>,
      %ge3A_568 = arith.constant 507904 : i32
      %ge3A_569 = vector.broadcast %ge3A_568 : i32 to vector<16xi32>
      %ge3A_570 = arith.cmpi sge, %get3A_567, %ge3A_569 : vector<16xi32>
      %mul3A_571 = arith.constant 2 : i32
      %mul3A_572 = vector.broadcast %mul3A_571 : i32 to vector<16xi32>
      %mul3A_573 = arith.muli %mul3A_572, %get3A_567 : vector<16xi32>
      %sub3A_574 = arith.constant 1015807 : i32
      %sub3A_575 = vector.broadcast %sub3A_574 : i32 to vector<16xi32>
      %sub3A_576 = arith.subi %mul3A_573, %sub3A_575 : vector<16xi32>
      %mul3A_577 = arith.constant 2 : i32
      %mul3A_578 = vector.broadcast %mul3A_577 : i32 to vector<16xi32>
      %mul3A_579 = arith.muli %mul3A_578, %get3A_567 : vector<16xi32>
      %select_n3A_580 = arith.select %ge3A_570, %sub3A_576, %mul3A_579 : vector<16xi1>, vector<16xi32>
      %mul3A_581 = arith.constant 512 : i32
      %mul3A_582 = arith.muli %scan3A_215, %mul3A_581 : i32
      %add3A_583 = arith.constant 384 : i32
      %add3A_584 = arith.addi %mul3A_582, %add3A_583 : i32
      %add3A_585 = arith.constant 0 : i32
      %add3A_586 = arith.addi %add3A_584, %add3A_585 : i32
      %add3A_587 = vector.broadcast %add3A_586 : i32 to vector<16xi32>
      %add3A_588 = arith.addi %add3A_587, %mul3A_5 : vector<16xi32>
      tpu.vector_store_idx %arg6[%add3A_588], %select_n3A_580 : memref<25600xi32, #tpu.memory_space<vmem>>[vector<16xi32>], vector<16xi32>,
      %mul3A_589 = arith.constant 512 : i32
      %mul3A_590 = arith.muli %scan3A_215, %mul3A_589 : i32
      %add3A_591 = arith.constant 0 : i32
      %add3A_592 = arith.addi %mul3A_590, %add3A_591 : i32
      %add3A_593 = arith.constant 208 : i32
      %add3A_594 = arith.addi %add3A_592, %add3A_593 : i32
      %get3A_595 = arith.index_cast %add3A_594 : i32 to index
      %get3A_596 = tpu.vector_load %arg5[%get3A_595] {strides = array<i32>} : memref<25600xi32, #tpu.memory_space<vmem>>, vector<16xi32>,
      %ge3A_597 = arith.constant 507904 : i32
      %ge3A_598 = vector.broadcast %ge3A_597 : i32 to vector<16xi32>
      %ge3A_599 = arith.cmpi sge, %get3A_596, %ge3A_598 : vector<16xi32>
      %mul3A_600 = arith.constant 2 : i32
      %mul3A_601 = vector.broadcast %mul3A_600 : i32 to vector<16xi32>
      %mul3A_602 = arith.muli %mul3A_601, %get3A_596 : vector<16xi32>
      %sub3A_603 = arith.constant 1015807 : i32
      %sub3A_604 = vector.broadcast %sub3A_603 : i32 to vector<16xi32>
      %sub3A_605 = arith.subi %mul3A_602, %sub3A_604 : vector<16xi32>
      %mul3A_606 = arith.constant 2 : i32
      %mul3A_607 = vector.broadcast %mul3A_606 : i32 to vector<16xi32>
      %mul3A_608 = arith.muli %mul3A_607, %get3A_596 : vector<16xi32>
      %select_n3A_609 = arith.select %ge3A_599, %sub3A_605, %mul3A_608 : vector<16xi1>, vector<16xi32>
      %mul3A_610 = arith.constant 512 : i32
      %mul3A_611 = arith.muli %scan3A_215, %mul3A_610 : i32
      %add3A_612 = arith.constant 416 : i32
      %add3A_613 = arith.addi %mul3A_611, %add3A_612 : i32
      %add3A_614 = arith.constant 0 : i32
      %add3A_615 = arith.addi %add3A_613, %add3A_614 : i32
      %add3A_616 = vector.broadcast %add3A_615 : i32 to vector<16xi32>
      %add3A_617 = arith.addi %add3A_616, %mul3A_5 : vector<16xi32>
      tpu.vector_store_idx %arg6[%add3A_617], %select_n3A_609 : memref<25600xi32, #tpu.memory_space<vmem>>[vector<16xi32>], vector<16xi32>,
      %mul3A_618 = arith.constant 512 : i32
      %mul3A_619 = arith.muli %scan3A_215, %mul3A_618 : i32
      %add3A_620 = arith.constant 0 : i32
      %add3A_621 = arith.addi %mul3A_619, %add3A_620 : i32
      %add3A_622 = arith.constant 224 : i32
      %add3A_623 = arith.addi %add3A_621, %add3A_622 : i32
      %get3A_624 = arith.index_cast %add3A_623 : i32 to index
      %get3A_625 = tpu.vector_load %arg5[%get3A_624] {strides = array<i32>} : memref<25600xi32, #tpu.memory_space<vmem>>, vector<16xi32>,
      %ge3A_626 = arith.constant 507904 : i32
      %ge3A_627 = vector.broadcast %ge3A_626 : i32 to vector<16xi32>
      %ge3A_628 = arith.cmpi sge, %get3A_625, %ge3A_627 : vector<16xi32>
      %mul3A_629 = arith.constant 2 : i32
      %mul3A_630 = vector.broadcast %mul3A_629 : i32 to vector<16xi32>
      %mul3A_631 = arith.muli %mul3A_630, %get3A_625 : vector<16xi32>
      %sub3A_632 = arith.constant 1015807 : i32
      %sub3A_633 = vector.broadcast %sub3A_632 : i32 to vector<16xi32>
      %sub3A_634 = arith.subi %mul3A_631, %sub3A_633 : vector<16xi32>
      %mul3A_635 = arith.constant 2 : i32
      %mul3A_636 = vector.broadcast %mul3A_635 : i32 to vector<16xi32>
      %mul3A_637 = arith.muli %mul3A_636, %get3A_625 : vector<16xi32>
      %select_n3A_638 = arith.select %ge3A_628, %sub3A_634, %mul3A_637 : vector<16xi1>, vector<16xi32>
      %mul3A_639 = arith.constant 512 : i32
      %mul3A_640 = arith.muli %scan3A_215, %mul3A_639 : i32
      %add3A_641 = arith.constant 448 : i32
      %add3A_642 = arith.addi %mul3A_640, %add3A_641 : i32
      %add3A_643 = arith.constant 0 : i32
      %add3A_644 = arith.addi %add3A_642, %add3A_643 : i32
      %add3A_645 = vector.broadcast %add3A_644 : i32 to vector<16xi32>
      %add3A_646 = arith.addi %add3A_645, %mul3A_5 : vector<16xi32>
      tpu.vector_store_idx %arg6[%add3A_646], %select_n3A_638 : memref<25600xi32, #tpu.memory_space<vmem>>[vector<16xi32>], vector<16xi32>,
      %mul3A_647 = arith.constant 512 : i32
      %mul3A_648 = arith.muli %scan3A_215, %mul3A_647 : i32
      %add3A_649 = arith.constant 0 : i32
      %add3A_650 = arith.addi %mul3A_648, %add3A_649 : i32
      %add3A_651 = arith.constant 240 : i32
      %add3A_652 = arith.addi %add3A_650, %add3A_651 : i32
      %get3A_653 = arith.index_cast %add3A_652 : i32 to index
      %get3A_654 = tpu.vector_load %arg5[%get3A_653] {strides = array<i32>} : memref<25600xi32, #tpu.memory_space<vmem>>, vector<16xi32>,
      %ge3A_655 = arith.constant 507904 : i32
      %ge3A_656 = vector.broadcast %ge3A_655 : i32 to vector<16xi32>
      %ge3A_657 = arith.cmpi sge, %get3A_654, %ge3A_656 : vector<16xi32>
      %mul3A_658 = arith.constant 2 : i32
      %mul3A_659 = vector.broadcast %mul3A_658 : i32 to vector<16xi32>
      %mul3A_660 = arith.muli %mul3A_659, %get3A_654 : vector<16xi32>
      %sub3A_661 = arith.constant 1015807 : i32
      %sub3A_662 = vector.broadcast %sub3A_661 : i32 to vector<16xi32>
      %sub3A_663 = arith.subi %mul3A_660, %sub3A_662 : vector<16xi32>
      %mul3A_664 = arith.constant 2 : i32
      %mul3A_665 = vector.broadcast %mul3A_664 : i32 to vector<16xi32>
      %mul3A_666 = arith.muli %mul3A_665, %get3A_654 : vector<16xi32>
      %select_n3A_667 = arith.select %ge3A_657, %sub3A_663, %mul3A_666 : vector<16xi1>, vector<16xi32>
      %mul3A_668 = arith.constant 512 : i32
      %mul3A_669 = arith.muli %scan3A_215, %mul3A_668 : i32
      %add3A_670 = arith.constant 480 : i32
      %add3A_671 = arith.addi %mul3A_669, %add3A_670 : i32
      %add3A_672 = arith.constant 0 : i32
      %add3A_673 = arith.addi %add3A_671, %add3A_672 : i32
      %add3A_674 = vector.broadcast %add3A_673 : i32 to vector<16xi32>
      %add3A_675 = arith.addi %add3A_674, %mul3A_5 : vector<16xi32>
      tpu.vector_store_idx %arg6[%add3A_675], %select_n3A_667 : memref<25600xi32, #tpu.memory_space<vmem>>[vector<16xi32>], vector<16xi32>,
      %mul3A_676 = arith.constant 512 : i32
      %mul3A_677 = arith.muli %scan3A_215, %mul3A_676 : i32
      %add3A_678 = arith.constant 256 : i32
      %add3A_679 = arith.addi %mul3A_677, %add3A_678 : i32
      %add3A_680 = arith.constant 0 : i32
      %add3A_681 = arith.addi %add3A_679, %add3A_680 : i32
      %get3A_682 = arith.index_cast %add3A_681 : i32 to index
      %get3A_683 = tpu.vector_load %arg5[%get3A_682] {strides = array<i32>} : memref<25600xi32, #tpu.memory_space<vmem>>, vector<16xi32>,
      %ge3A_684 = arith.constant 507904 : i32
      %ge3A_685 = vector.broadcast %ge3A_684 : i32 to vector<16xi32>
      %ge3A_686 = arith.cmpi sge, %get3A_683, %ge3A_685 : vector<16xi32>
      %mul3A_687 = arith.constant 2 : i32
      %mul3A_688 = vector.broadcast %mul3A_687 : i32 to vector<16xi32>
      %mul3A_689 = arith.muli %mul3A_688, %get3A_683 : vector<16xi32>
      %sub3A_690 = arith.constant 1015807 : i32
      %sub3A_691 = vector.broadcast %sub3A_690 : i32 to vector<16xi32>
      %sub3A_692 = arith.subi %mul3A_689, %sub3A_691 : vector<16xi32>
      %mul3A_693 = arith.constant 2 : i32
      %mul3A_694 = vector.broadcast %mul3A_693 : i32 to vector<16xi32>
      %mul3A_695 = arith.muli %mul3A_694, %get3A_683 : vector<16xi32>
      %select_n3A_696 = arith.select %ge3A_686, %sub3A_692, %mul3A_695 : vector<16xi1>, vector<16xi32>
      %mul3A_697 = arith.constant 512 : i32
      %mul3A_698 = arith.muli %scan3A_215, %mul3A_697 : i32
      %add3A_699 = arith.constant 0 : i32
      %add3A_700 = arith.addi %mul3A_698, %add3A_699 : i32
      %add3A_701 = arith.constant 1 : i32
      %add3A_702 = arith.addi %add3A_700, %add3A_701 : i32
      %add3A_703 = vector.broadcast %add3A_702 : i32 to vector<16xi32>
      %add3A_704 = arith.addi %add3A_703, %mul3A_5 : vector<16xi32>
      tpu.vector_store_idx %arg6[%add3A_704], %select_n3A_696 : memref<25600xi32, #tpu.memory_space<vmem>>[vector<16xi32>], vector<16xi32>,
      %mul3A_705 = arith.constant 512 : i32
      %mul3A_706 = arith.muli %scan3A_215, %mul3A_705 : i32
      %add3A_707 = arith.constant 256 : i32
      %add3A_708 = arith.addi %mul3A_706, %add3A_707 : i32
      %add3A_709 = arith.constant 16 : i32
      %add3A_710 = arith.addi %add3A_708, %add3A_709 : i32
      %get3A_711 = arith.index_cast %add3A_710 : i32 to index
      %get3A_712 = tpu.vector_load %arg5[%get3A_711] {strides = array<i32>} : memref<25600xi32, #tpu.memory_space<vmem>>, vector<16xi32>,
      %ge3A_713 = arith.constant 507904 : i32
      %ge3A_714 = vector.broadcast %ge3A_713 : i32 to vector<16xi32>
      %ge3A_715 = arith.cmpi sge, %get3A_712, %ge3A_714 : vector<16xi32>
      %mul3A_716 = arith.constant 2 : i32
      %mul3A_717 = vector.broadcast %mul3A_716 : i32 to vector<16xi32>
      %mul3A_718 = arith.muli %mul3A_717, %get3A_712 : vector<16xi32>
      %sub3A_719 = arith.constant 1015807 : i32
      %sub3A_720 = vector.broadcast %sub3A_719 : i32 to vector<16xi32>
      %sub3A_721 = arith.subi %mul3A_718, %sub3A_720 : vector<16xi32>
      %mul3A_722 = arith.constant 2 : i32
      %mul3A_723 = vector.broadcast %mul3A_722 : i32 to vector<16xi32>
      %mul3A_724 = arith.muli %mul3A_723, %get3A_712 : vector<16xi32>
      %select_n3A_725 = arith.select %ge3A_715, %sub3A_721, %mul3A_724 : vector<16xi1>, vector<16xi32>
      %mul3A_726 = arith.constant 512 : i32
      %mul3A_727 = arith.muli %scan3A_215, %mul3A_726 : i32
      %add3A_728 = arith.constant 32 : i32
      %add3A_729 = arith.addi %mul3A_727, %add3A_728 : i32
      %add3A_730 = arith.constant 1 : i32
      %add3A_731 = arith.addi %add3A_729, %add3A_730 : i32
      %add3A_732 = vector.broadcast %add3A_731 : i32 to vector<16xi32>
      %add3A_733 = arith.addi %add3A_732, %mul3A_5 : vector<16xi32>
      tpu.vector_store_idx %arg6[%add3A_733], %select_n3A_725 : memref<25600xi32, #tpu.memory_space<vmem>>[vector<16xi32>], vector<16xi32>,
      %mul3A_734 = arith.constant 512 : i32
      %mul3A_735 = arith.muli %scan3A_215, %mul3A_734 : i32
      %add3A_736 = arith.constant 256 : i32
      %add3A_737 = arith.addi %mul3A_735, %add3A_736 : i32
      %add3A_738 = arith.constant 32 : i32
      %add3A_739 = arith.addi %add3A_737, %add3A_738 : i32
      %get3A_740 = arith.index_cast %add3A_739 : i32 to index
      %get3A_741 = tpu.vector_load %arg5[%get3A_740] {strides = array<i32>} : memref<25600xi32, #tpu.memory_space<vmem>>, vector<16xi32>,
      %ge3A_742 = arith.constant 507904 : i32
      %ge3A_743 = vector.broadcast %ge3A_742 : i32 to vector<16xi32>
      %ge3A_744 = arith.cmpi sge, %get3A_741, %ge3A_743 : vector<16xi32>
      %mul3A_745 = arith.constant 2 : i32
      %mul3A_746 = vector.broadcast %mul3A_745 : i32 to vector<16xi32>
      %mul3A_747 = arith.muli %mul3A_746, %get3A_741 : vector<16xi32>
      %sub3A_748 = arith.constant 1015807 : i32
      %sub3A_749 = vector.broadcast %sub3A_748 : i32 to vector<16xi32>
      %sub3A_750 = arith.subi %mul3A_747, %sub3A_749 : vector<16xi32>
      %mul3A_751 = arith.constant 2 : i32
      %mul3A_752 = vector.broadcast %mul3A_751 : i32 to vector<16xi32>
      %mul3A_753 = arith.muli %mul3A_752, %get3A_741 : vector<16xi32>
      %select_n3A_754 = arith.select %ge3A_744, %sub3A_750, %mul3A_753 : vector<16xi1>, vector<16xi32>
      %mul3A_755 = arith.constant 512 : i32
      %mul3A_756 = arith.muli %scan3A_215, %mul3A_755 : i32
      %add3A_757 = arith.constant 64 : i32
      %add3A_758 = arith.addi %mul3A_756, %add3A_757 : i32
      %add3A_759 = arith.constant 1 : i32
      %add3A_760 = arith.addi %add3A_758, %add3A_759 : i32
      %add3A_761 = vector.broadcast %add3A_760 : i32 to vector<16xi32>
      %add3A_762 = arith.addi %add3A_761, %mul3A_5 : vector<16xi32>
      tpu.vector_store_idx %arg6[%add3A_762], %select_n3A_754 : memref<25600xi32, #tpu.memory_space<vmem>>[vector<16xi32>], vector<16xi32>,
      %mul3A_763 = arith.constant 512 : i32
      %mul3A_764 = arith.muli %scan3A_215, %mul3A_763 : i32
      %add3A_765 = arith.constant 256 : i32
      %add3A_766 = arith.addi %mul3A_764, %add3A_765 : i32
      %add3A_767 = arith.constant 48 : i32
      %add3A_768 = arith.addi %add3A_766, %add3A_767 : i32
      %get3A_769 = arith.index_cast %add3A_768 : i32 to index
      %get3A_770 = tpu.vector_load %arg5[%get3A_769] {strides = array<i32>} : memref<25600xi32, #tpu.memory_space<vmem>>, vector<16xi32>,
      %ge3A_771 = arith.constant 507904 : i32
      %ge3A_772 = vector.broadcast %ge3A_771 : i32 to vector<16xi32>
      %ge3A_773 = arith.cmpi sge, %get3A_770, %ge3A_772 : vector<16xi32>
      %mul3A_774 = arith.constant 2 : i32
      %mul3A_775 = vector.broadcast %mul3A_774 : i32 to vector<16xi32>
      %mul3A_776 = arith.muli %mul3A_775, %get3A_770 : vector<16xi32>
      %sub3A_777 = arith.constant 1015807 : i32
      %sub3A_778 = vector.broadcast %sub3A_777 : i32 to vector<16xi32>
      %sub3A_779 = arith.subi %mul3A_776, %sub3A_778 : vector<16xi32>
      %mul3A_780 = arith.constant 2 : i32
      %mul3A_781 = vector.broadcast %mul3A_780 : i32 to vector<16xi32>
      %mul3A_782 = arith.muli %mul3A_781, %get3A_770 : vector<16xi32>
      %select_n3A_783 = arith.select %ge3A_773, %sub3A_779, %mul3A_782 : vector<16xi1>, vector<16xi32>
      %mul3A_784 = arith.constant 512 : i32
      %mul3A_785 = arith.muli %scan3A_215, %mul3A_784 : i32
      %add3A_786 = arith.constant 96 : i32
      %add3A_787 = arith.addi %mul3A_785, %add3A_786 : i32
      %add3A_788 = arith.constant 1 : i32
      %add3A_789 = arith.addi %add3A_787, %add3A_788 : i32
      %add3A_790 = vector.broadcast %add3A_789 : i32 to vector<16xi32>
      %add3A_791 = arith.addi %add3A_790, %mul3A_5 : vector<16xi32>
      tpu.vector_store_idx %arg6[%add3A_791], %select_n3A_783 : memref<25600xi32, #tpu.memory_space<vmem>>[vector<16xi32>], vector<16xi32>,
      %mul3A_792 = arith.constant 512 : i32
      %mul3A_793 = arith.muli %scan3A_215, %mul3A_792 : i32
      %add3A_794 = arith.constant 256 : i32
      %add3A_795 = arith.addi %mul3A_793, %add3A_794 : i32
      %add3A_796 = arith.constant 64 : i32
      %add3A_797 = arith.addi %add3A_795, %add3A_796 : i32
      %get3A_798 = arith.index_cast %add3A_797 : i32 to index
      %get3A_799 = tpu.vector_load %arg5[%get3A_798] {strides = array<i32>} : memref<25600xi32, #tpu.memory_space<vmem>>, vector<16xi32>,
      %ge3A_800 = arith.constant 507904 : i32
      %ge3A_801 = vector.broadcast %ge3A_800 : i32 to vector<16xi32>
      %ge3A_802 = arith.cmpi sge, %get3A_799, %ge3A_801 : vector<16xi32>
      %mul3A_803 = arith.constant 2 : i32
      %mul3A_804 = vector.broadcast %mul3A_803 : i32 to vector<16xi32>
      %mul3A_805 = arith.muli %mul3A_804, %get3A_799 : vector<16xi32>
      %sub3A_806 = arith.constant 1015807 : i32
      %sub3A_807 = vector.broadcast %sub3A_806 : i32 to vector<16xi32>
      %sub3A_808 = arith.subi %mul3A_805, %sub3A_807 : vector<16xi32>
      %mul3A_809 = arith.constant 2 : i32
      %mul3A_810 = vector.broadcast %mul3A_809 : i32 to vector<16xi32>
      %mul3A_811 = arith.muli %mul3A_810, %get3A_799 : vector<16xi32>
      %select_n3A_812 = arith.select %ge3A_802, %sub3A_808, %mul3A_811 : vector<16xi1>, vector<16xi32>
      %mul3A_813 = arith.constant 512 : i32
      %mul3A_814 = arith.muli %scan3A_215, %mul3A_813 : i32
      %add3A_815 = arith.constant 128 : i32
      %add3A_816 = arith.addi %mul3A_814, %add3A_815 : i32
      %add3A_817 = arith.constant 1 : i32
      %add3A_818 = arith.addi %add3A_816, %add3A_817 : i32
      %add3A_819 = vector.broadcast %add3A_818 : i32 to vector<16xi32>
      %add3A_820 = arith.addi %add3A_819, %mul3A_5 : vector<16xi32>
      tpu.vector_store_idx %arg6[%add3A_820], %select_n3A_812 : memref<25600xi32, #tpu.memory_space<vmem>>[vector<16xi32>], vector<16xi32>,
      %mul3A_821 = arith.constant 512 : i32
      %mul3A_822 = arith.muli %scan3A_215, %mul3A_821 : i32
      %add3A_823 = arith.constant 256 : i32
      %add3A_824 = arith.addi %mul3A_822, %add3A_823 : i32
      %add3A_825 = arith.constant 80 : i32
      %add3A_826 = arith.addi %add3A_824, %add3A_825 : i32
      %get3A_827 = arith.index_cast %add3A_826 : i32 to index
      %get3A_828 = tpu.vector_load %arg5[%get3A_827] {strides = array<i32>} : memref<25600xi32, #tpu.memory_space<vmem>>, vector<16xi32>,
      %ge3A_829 = arith.constant 507904 : i32
      %ge3A_830 = vector.broadcast %ge3A_829 : i32 to vector<16xi32>
      %ge3A_831 = arith.cmpi sge, %get3A_828, %ge3A_830 : vector<16xi32>
      %mul3A_832 = arith.constant 2 : i32
      %mul3A_833 = vector.broadcast %mul3A_832 : i32 to vector<16xi32>
      %mul3A_834 = arith.muli %mul3A_833, %get3A_828 : vector<16xi32>
      %sub3A_835 = arith.constant 1015807 : i32
      %sub3A_836 = vector.broadcast %sub3A_835 : i32 to vector<16xi32>
      %sub3A_837 = arith.subi %mul3A_834, %sub3A_836 : vector<16xi32>
      %mul3A_838 = arith.constant 2 : i32
      %mul3A_839 = vector.broadcast %mul3A_838 : i32 to vector<16xi32>
      %mul3A_840 = arith.muli %mul3A_839, %get3A_828 : vector<16xi32>
      %select_n3A_841 = arith.select %ge3A_831, %sub3A_837, %mul3A_840 : vector<16xi1>, vector<16xi32>
      %mul3A_842 = arith.constant 512 : i32
      %mul3A_843 = arith.muli %scan3A_215, %mul3A_842 : i32
      %add3A_844 = arith.constant 160 : i32
      %add3A_845 = arith.addi %mul3A_843, %add3A_844 : i32
      %add3A_846 = arith.constant 1 : i32
      %add3A_847 = arith.addi %add3A_845, %add3A_846 : i32
      %add3A_848 = vector.broadcast %add3A_847 : i32 to vector<16xi32>
      %add3A_849 = arith.addi %add3A_848, %mul3A_5 : vector<16xi32>
      tpu.vector_store_idx %arg6[%add3A_849], %select_n3A_841 : memref<25600xi32, #tpu.memory_space<vmem>>[vector<16xi32>], vector<16xi32>,
      %mul3A_850 = arith.constant 512 : i32
      %mul3A_851 = arith.muli %scan3A_215, %mul3A_850 : i32
      %add3A_852 = arith.constant 256 : i32
      %add3A_853 = arith.addi %mul3A_851, %add3A_852 : i32
      %add3A_854 = arith.constant 96 : i32
      %add3A_855 = arith.addi %add3A_853, %add3A_854 : i32
      %get3A_856 = arith.index_cast %add3A_855 : i32 to index
      %get3A_857 = tpu.vector_load %arg5[%get3A_856] {strides = array<i32>} : memref<25600xi32, #tpu.memory_space<vmem>>, vector<16xi32>,
      %ge3A_858 = arith.constant 507904 : i32
      %ge3A_859 = vector.broadcast %ge3A_858 : i32 to vector<16xi32>
      %ge3A_860 = arith.cmpi sge, %get3A_857, %ge3A_859 : vector<16xi32>
      %mul3A_861 = arith.constant 2 : i32
      %mul3A_862 = vector.broadcast %mul3A_861 : i32 to vector<16xi32>
      %mul3A_863 = arith.muli %mul3A_862, %get3A_857 : vector<16xi32>
      %sub3A_864 = arith.constant 1015807 : i32
      %sub3A_865 = vector.broadcast %sub3A_864 : i32 to vector<16xi32>
      %sub3A_866 = arith.subi %mul3A_863, %sub3A_865 : vector<16xi32>
      %mul3A_867 = arith.constant 2 : i32
      %mul3A_868 = vector.broadcast %mul3A_867 : i32 to vector<16xi32>
      %mul3A_869 = arith.muli %mul3A_868, %get3A_857 : vector<16xi32>
      %select_n3A_870 = arith.select %ge3A_860, %sub3A_866, %mul3A_869 : vector<16xi1>, vector<16xi32>
      %mul3A_871 = arith.constant 512 : i32
      %mul3A_872 = arith.muli %scan3A_215, %mul3A_871 : i32
      %add3A_873 = arith.constant 192 : i32
      %add3A_874 = arith.addi %mul3A_872, %add3A_873 : i32
      %add3A_875 = arith.constant 1 : i32
      %add3A_876 = arith.addi %add3A_874, %add3A_875 : i32
      %add3A_877 = vector.broadcast %add3A_876 : i32 to vector<16xi32>
      %add3A_878 = arith.addi %add3A_877, %mul3A_5 : vector<16xi32>
      tpu.vector_store_idx %arg6[%add3A_878], %select_n3A_870 : memref<25600xi32, #tpu.memory_space<vmem>>[vector<16xi32>], vector<16xi32>,
      %mul3A_879 = arith.constant 512 : i32
      %mul3A_880 = arith.muli %scan3A_215, %mul3A_879 : i32
      %add3A_881 = arith.constant 256 : i32
      %add3A_882 = arith.addi %mul3A_880, %add3A_881 : i32
      %add3A_883 = arith.constant 112 : i32
      %add3A_884 = arith.addi %add3A_882, %add3A_883 : i32
      %get3A_885 = arith.index_cast %add3A_884 : i32 to index
      %get3A_886 = tpu.vector_load %arg5[%get3A_885] {strides = array<i32>} : memref<25600xi32, #tpu.memory_space<vmem>>, vector<16xi32>,
      %ge3A_887 = arith.constant 507904 : i32
      %ge3A_888 = vector.broadcast %ge3A_887 : i32 to vector<16xi32>
      %ge3A_889 = arith.cmpi sge, %get3A_886, %ge3A_888 : vector<16xi32>
      %mul3A_890 = arith.constant 2 : i32
      %mul3A_891 = vector.broadcast %mul3A_890 : i32 to vector<16xi32>
      %mul3A_892 = arith.muli %mul3A_891, %get3A_886 : vector<16xi32>
      %sub3A_893 = arith.constant 1015807 : i32
      %sub3A_894 = vector.broadcast %sub3A_893 : i32 to vector<16xi32>
      %sub3A_895 = arith.subi %mul3A_892, %sub3A_894 : vector<16xi32>
      %mul3A_896 = arith.constant 2 : i32
      %mul3A_897 = vector.broadcast %mul3A_896 : i32 to vector<16xi32>
      %mul3A_898 = arith.muli %mul3A_897, %get3A_886 : vector<16xi32>
      %select_n3A_899 = arith.select %ge3A_889, %sub3A_895, %mul3A_898 : vector<16xi1>, vector<16xi32>
      %mul3A_900 = arith.constant 512 : i32
      %mul3A_901 = arith.muli %scan3A_215, %mul3A_900 : i32
      %add3A_902 = arith.constant 224 : i32
      %add3A_903 = arith.addi %mul3A_901, %add3A_902 : i32
      %add3A_904 = arith.constant 1 : i32
      %add3A_905 = arith.addi %add3A_903, %add3A_904 : i32
      %add3A_906 = vector.broadcast %add3A_905 : i32 to vector<16xi32>
      %add3A_907 = arith.addi %add3A_906, %mul3A_5 : vector<16xi32>
      tpu.vector_store_idx %arg6[%add3A_907], %select_n3A_899 : memref<25600xi32, #tpu.memory_space<vmem>>[vector<16xi32>], vector<16xi32>,
      %mul3A_908 = arith.constant 512 : i32
      %mul3A_909 = arith.muli %scan3A_215, %mul3A_908 : i32
      %add3A_910 = arith.constant 256 : i32
      %add3A_911 = arith.addi %mul3A_909, %add3A_910 : i32
      %add3A_912 = arith.constant 128 : i32
      %add3A_913 = arith.addi %add3A_911, %add3A_912 : i32
      %get3A_914 = arith.index_cast %add3A_913 : i32 to index
      %get3A_915 = tpu.vector_load %arg5[%get3A_914] {strides = array<i32>} : memref<25600xi32, #tpu.memory_space<vmem>>, vector<16xi32>,
      %ge3A_916 = arith.constant 507904 : i32
      %ge3A_917 = vector.broadcast %ge3A_916 : i32 to vector<16xi32>
      %ge3A_918 = arith.cmpi sge, %get3A_915, %ge3A_917 : vector<16xi32>
      %mul3A_919 = arith.constant 2 : i32
      %mul3A_920 = vector.broadcast %mul3A_919 : i32 to vector<16xi32>
      %mul3A_921 = arith.muli %mul3A_920, %get3A_915 : vector<16xi32>
      %sub3A_922 = arith.constant 1015807 : i32
      %sub3A_923 = vector.broadcast %sub3A_922 : i32 to vector<16xi32>
      %sub3A_924 = arith.subi %mul3A_921, %sub3A_923 : vector<16xi32>
      %mul3A_925 = arith.constant 2 : i32
      %mul3A_926 = vector.broadcast %mul3A_925 : i32 to vector<16xi32>
      %mul3A_927 = arith.muli %mul3A_926, %get3A_915 : vector<16xi32>
      %select_n3A_928 = arith.select %ge3A_918, %sub3A_924, %mul3A_927 : vector<16xi1>, vector<16xi32>
      %mul3A_929 = arith.constant 512 : i32
      %mul3A_930 = arith.muli %scan3A_215, %mul3A_929 : i32
      %add3A_931 = arith.constant 256 : i32
      %add3A_932 = arith.addi %mul3A_930, %add3A_931 : i32
      %add3A_933 = arith.constant 1 : i32
      %add3A_934 = arith.addi %add3A_932, %add3A_933 : i32
      %add3A_935 = vector.broadcast %add3A_934 : i32 to vector<16xi32>
      %add3A_936 = arith.addi %add3A_935, %mul3A_5 : vector<16xi32>
      tpu.vector_store_idx %arg6[%add3A_936], %select_n3A_928 : memref<25600xi32, #tpu.memory_space<vmem>>[vector<16xi32>], vector<16xi32>,
      %mul3A_937 = arith.constant 512 : i32
      %mul3A_938 = arith.muli %scan3A_215, %mul3A_937 : i32
      %add3A_939 = arith.constant 256 : i32
      %add3A_940 = arith.addi %mul3A_938, %add3A_939 : i32
      %add3A_941 = arith.constant 144 : i32
      %add3A_942 = arith.addi %add3A_940, %add3A_941 : i32
      %get3A_943 = arith.index_cast %add3A_942 : i32 to index
      %get3A_944 = tpu.vector_load %arg5[%get3A_943] {strides = array<i32>} : memref<25600xi32, #tpu.memory_space<vmem>>, vector<16xi32>,
      %ge3A_945 = arith.constant 507904 : i32
      %ge3A_946 = vector.broadcast %ge3A_945 : i32 to vector<16xi32>
      %ge3A_947 = arith.cmpi sge, %get3A_944, %ge3A_946 : vector<16xi32>
      %mul3A_948 = arith.constant 2 : i32
      %mul3A_949 = vector.broadcast %mul3A_948 : i32 to vector<16xi32>
      %mul3A_950 = arith.muli %mul3A_949, %get3A_944 : vector<16xi32>
      %sub3A_951 = arith.constant 1015807 : i32
      %sub3A_952 = vector.broadcast %sub3A_951 : i32 to vector<16xi32>
      %sub3A_953 = arith.subi %mul3A_950, %sub3A_952 : vector<16xi32>
      %mul3A_954 = arith.constant 2 : i32
      %mul3A_955 = vector.broadcast %mul3A_954 : i32 to vector<16xi32>
      %mul3A_956 = arith.muli %mul3A_955, %get3A_944 : vector<16xi32>
      %select_n3A_957 = arith.select %ge3A_947, %sub3A_953, %mul3A_956 : vector<16xi1>, vector<16xi32>
      %mul3A_958 = arith.constant 512 : i32
      %mul3A_959 = arith.muli %scan3A_215, %mul3A_958 : i32
      %add3A_960 = arith.constant 288 : i32
      %add3A_961 = arith.addi %mul3A_959, %add3A_960 : i32
      %add3A_962 = arith.constant 1 : i32
      %add3A_963 = arith.addi %add3A_961, %add3A_962 : i32
      %add3A_964 = vector.broadcast %add3A_963 : i32 to vector<16xi32>
      %add3A_965 = arith.addi %add3A_964, %mul3A_5 : vector<16xi32>
      tpu.vector_store_idx %arg6[%add3A_965], %select_n3A_957 : memref<25600xi32, #tpu.memory_space<vmem>>[vector<16xi32>], vector<16xi32>,
      %mul3A_966 = arith.constant 512 : i32
      %mul3A_967 = arith.muli %scan3A_215, %mul3A_966 : i32
      %add3A_968 = arith.constant 256 : i32
      %add3A_969 = arith.addi %mul3A_967, %add3A_968 : i32
      %add3A_970 = arith.constant 160 : i32
      %add3A_971 = arith.addi %add3A_969, %add3A_970 : i32
      %get3A_972 = arith.index_cast %add3A_971 : i32 to index
      %get3A_973 = tpu.vector_load %arg5[%get3A_972] {strides = array<i32>} : memref<25600xi32, #tpu.memory_space<vmem>>, vector<16xi32>,
      %ge3A_974 = arith.constant 507904 : i32
      %ge3A_975 = vector.broadcast %ge3A_974 : i32 to vector<16xi32>
      %ge3A_976 = arith.cmpi sge, %get3A_973, %ge3A_975 : vector<16xi32>
      %mul3A_977 = arith.constant 2 : i32
      %mul3A_978 = vector.broadcast %mul3A_977 : i32 to vector<16xi32>
      %mul3A_979 = arith.muli %mul3A_978, %get3A_973 : vector<16xi32>
      %sub3A_980 = arith.constant 1015807 : i32
      %sub3A_981 = vector.broadcast %sub3A_980 : i32 to vector<16xi32>
      %sub3A_982 = arith.subi %mul3A_979, %sub3A_981 : vector<16xi32>
      %mul3A_983 = arith.constant 2 : i32
      %mul3A_984 = vector.broadcast %mul3A_983 : i32 to vector<16xi32>
      %mul3A_985 = arith.muli %mul3A_984, %get3A_973 : vector<16xi32>
      %select_n3A_986 = arith.select %ge3A_976, %sub3A_982, %mul3A_985 : vector<16xi1>, vector<16xi32>
      %mul3A_987 = arith.constant 512 : i32
      %mul3A_988 = arith.muli %scan3A_215, %mul3A_987 : i32
      %add3A_989 = arith.constant 320 : i32
      %add3A_990 = arith.addi %mul3A_988, %add3A_989 : i32
      %add3A_991 = arith.constant 1 : i32
      %add3A_992 = arith.addi %add3A_990, %add3A_991 : i32
      %add3A_993 = vector.broadcast %add3A_992 : i32 to vector<16xi32>
      %add3A_994 = arith.addi %add3A_993, %mul3A_5 : vector<16xi32>
      tpu.vector_store_idx %arg6[%add3A_994], %select_n3A_986 : memref<25600xi32, #tpu.memory_space<vmem>>[vector<16xi32>], vector<16xi32>,
      %mul3A_995 = arith.constant 512 : i32
      %mul3A_996 = arith.muli %scan3A_215, %mul3A_995 : i32
      %add3A_997 = arith.constant 256 : i32
      %add3A_998 = arith.addi %mul3A_996, %add3A_997 : i32
      %add3A_999 = arith.constant 176 : i32
      %add3A_1000 = arith.addi %add3A_998, %add3A_999 : i32
      %get3A_1001 = arith.index_cast %add3A_1000 : i32 to index
      %get3A_1002 = tpu.vector_load %arg5[%get3A_1001] {strides = array<i32>} : memref<25600xi32, #tpu.memory_space<vmem>>, vector<16xi32>,
      %ge3A_1003 = arith.constant 507904 : i32
      %ge3A_1004 = vector.broadcast %ge3A_1003 : i32 to vector<16xi32>
      %ge3A_1005 = arith.cmpi sge, %get3A_1002, %ge3A_1004 : vector<16xi32>
      %mul3A_1006 = arith.constant 2 : i32
      %mul3A_1007 = vector.broadcast %mul3A_1006 : i32 to vector<16xi32>
      %mul3A_1008 = arith.muli %mul3A_1007, %get3A_1002 : vector<16xi32>
      %sub3A_1009 = arith.constant 1015807 : i32
      %sub3A_1010 = vector.broadcast %sub3A_1009 : i32 to vector<16xi32>
      %sub3A_1011 = arith.subi %mul3A_1008, %sub3A_1010 : vector<16xi32>
      %mul3A_1012 = arith.constant 2 : i32
      %mul3A_1013 = vector.broadcast %mul3A_1012 : i32 to vector<16xi32>
      %mul3A_1014 = arith.muli %mul3A_1013, %get3A_1002 : vector<16xi32>
      %select_n3A_1015 = arith.select %ge3A_1005, %sub3A_1011, %mul3A_1014 : vector<16xi1>, vector<16xi32>
      %mul3A_1016 = arith.constant 512 : i32
      %mul3A_1017 = arith.muli %scan3A_215, %mul3A_1016 : i32
      %add3A_1018 = arith.constant 352 : i32
      %add3A_1019 = arith.addi %mul3A_1017, %add3A_1018 : i32
      %add3A_1020 = arith.constant 1 : i32
      %add3A_1021 = arith.addi %add3A_1019, %add3A_1020 : i32
      %add3A_1022 = vector.broadcast %add3A_1021 : i32 to vector<16xi32>
      %add3A_1023 = arith.addi %add3A_1022, %mul3A_5 : vector<16xi32>
      tpu.vector_store_idx %arg6[%add3A_1023], %select_n3A_1015 : memref<25600xi32, #tpu.memory_space<vmem>>[vector<16xi32>], vector<16xi32>,
      %mul3A_1024 = arith.constant 512 : i32
      %mul3A_1025 = arith.muli %scan3A_215, %mul3A_1024 : i32
      %add3A_1026 = arith.constant 256 : i32
      %add3A_1027 = arith.addi %mul3A_1025, %add3A_1026 : i32
      %add3A_1028 = arith.constant 192 : i32
      %add3A_1029 = arith.addi %add3A_1027, %add3A_1028 : i32
      %get3A_1030 = arith.index_cast %add3A_1029 : i32 to index
      %get3A_1031 = tpu.vector_load %arg5[%get3A_1030] {strides = array<i32>} : memref<25600xi32, #tpu.memory_space<vmem>>, vector<16xi32>,
      %ge3A_1032 = arith.constant 507904 : i32
      %ge3A_1033 = vector.broadcast %ge3A_1032 : i32 to vector<16xi32>
      %ge3A_1034 = arith.cmpi sge, %get3A_1031, %ge3A_1033 : vector<16xi32>
      %mul3A_1035 = arith.constant 2 : i32
      %mul3A_1036 = vector.broadcast %mul3A_1035 : i32 to vector<16xi32>
      %mul3A_1037 = arith.muli %mul3A_1036, %get3A_1031 : vector<16xi32>
      %sub3A_1038 = arith.constant 1015807 : i32
      %sub3A_1039 = vector.broadcast %sub3A_1038 : i32 to vector<16xi32>
      %sub3A_1040 = arith.subi %mul3A_1037, %sub3A_1039 : vector<16xi32>
      %mul3A_1041 = arith.constant 2 : i32
      %mul3A_1042 = vector.broadcast %mul3A_1041 : i32 to vector<16xi32>
      %mul3A_1043 = arith.muli %mul3A_1042, %get3A_1031 : vector<16xi32>
      %select_n3A_1044 = arith.select %ge3A_1034, %sub3A_1040, %mul3A_1043 : vector<16xi1>, vector<16xi32>
      %mul3A_1045 = arith.constant 512 : i32
      %mul3A_1046 = arith.muli %scan3A_215, %mul3A_1045 : i32
      %add3A_1047 = arith.constant 384 : i32
      %add3A_1048 = arith.addi %mul3A_1046, %add3A_1047 : i32
      %add3A_1049 = arith.constant 1 : i32
      %add3A_1050 = arith.addi %add3A_1048, %add3A_1049 : i32
      %add3A_1051 = vector.broadcast %add3A_1050 : i32 to vector<16xi32>
      %add3A_1052 = arith.addi %add3A_1051, %mul3A_5 : vector<16xi32>
      tpu.vector_store_idx %arg6[%add3A_1052], %select_n3A_1044 : memref<25600xi32, #tpu.memory_space<vmem>>[vector<16xi32>], vector<16xi32>,
      %mul3A_1053 = arith.constant 512 : i32
      %mul3A_1054 = arith.muli %scan3A_215, %mul3A_1053 : i32
      %add3A_1055 = arith.constant 256 : i32
      %add3A_1056 = arith.addi %mul3A_1054, %add3A_1055 : i32
      %add3A_1057 = arith.constant 208 : i32
      %add3A_1058 = arith.addi %add3A_1056, %add3A_1057 : i32
      %get3A_1059 = arith.index_cast %add3A_1058 : i32 to index
      %get3A_1060 = tpu.vector_load %arg5[%get3A_1059] {strides = array<i32>} : memref<25600xi32, #tpu.memory_space<vmem>>, vector<16xi32>,
      %ge3A_1061 = arith.constant 507904 : i32
      %ge3A_1062 = vector.broadcast %ge3A_1061 : i32 to vector<16xi32>
      %ge3A_1063 = arith.cmpi sge, %get3A_1060, %ge3A_1062 : vector<16xi32>
      %mul3A_1064 = arith.constant 2 : i32
      %mul3A_1065 = vector.broadcast %mul3A_1064 : i32 to vector<16xi32>
      %mul3A_1066 = arith.muli %mul3A_1065, %get3A_1060 : vector<16xi32>
      %sub3A_1067 = arith.constant 1015807 : i32
      %sub3A_1068 = vector.broadcast %sub3A_1067 : i32 to vector<16xi32>
      %sub3A_1069 = arith.subi %mul3A_1066, %sub3A_1068 : vector<16xi32>
      %mul3A_1070 = arith.constant 2 : i32
      %mul3A_1071 = vector.broadcast %mul3A_1070 : i32 to vector<16xi32>
      %mul3A_1072 = arith.muli %mul3A_1071, %get3A_1060 : vector<16xi32>
      %select_n3A_1073 = arith.select %ge3A_1063, %sub3A_1069, %mul3A_1072 : vector<16xi1>, vector<16xi32>
      %mul3A_1074 = arith.constant 512 : i32
      %mul3A_1075 = arith.muli %scan3A_215, %mul3A_1074 : i32
      %add3A_1076 = arith.constant 416 : i32
      %add3A_1077 = arith.addi %mul3A_1075, %add3A_1076 : i32
      %add3A_1078 = arith.constant 1 : i32
      %add3A_1079 = arith.addi %add3A_1077, %add3A_1078 : i32
      %add3A_1080 = vector.broadcast %add3A_1079 : i32 to vector<16xi32>
      %add3A_1081 = arith.addi %add3A_1080, %mul3A_5 : vector<16xi32>
      tpu.vector_store_idx %arg6[%add3A_1081], %select_n3A_1073 : memref<25600xi32, #tpu.memory_space<vmem>>[vector<16xi32>], vector<16xi32>,
      %mul3A_1082 = arith.constant 512 : i32
      %mul3A_1083 = arith.muli %scan3A_215, %mul3A_1082 : i32
      %add3A_1084 = arith.constant 256 : i32
      %add3A_1085 = arith.addi %mul3A_1083, %add3A_1084 : i32
      %add3A_1086 = arith.constant 224 : i32
      %add3A_1087 = arith.addi %add3A_1085, %add3A_1086 : i32
      %get3A_1088 = arith.index_cast %add3A_1087 : i32 to index
      %get3A_1089 = tpu.vector_load %arg5[%get3A_1088] {strides = array<i32>} : memref<25600xi32, #tpu.memory_space<vmem>>, vector<16xi32>,
      %ge3A_1090 = arith.constant 507904 : i32
      %ge3A_1091 = vector.broadcast %ge3A_1090 : i32 to vector<16xi32>
      %ge3A_1092 = arith.cmpi sge, %get3A_1089, %ge3A_1091 : vector<16xi32>
      %mul3A_1093 = arith.constant 2 : i32
      %mul3A_1094 = vector.broadcast %mul3A_1093 : i32 to vector<16xi32>
      %mul3A_1095 = arith.muli %mul3A_1094, %get3A_1089 : vector<16xi32>
      %sub3A_1096 = arith.constant 1015807 : i32
      %sub3A_1097 = vector.broadcast %sub3A_1096 : i32 to vector<16xi32>
      %sub3A_1098 = arith.subi %mul3A_1095, %sub3A_1097 : vector<16xi32>
      %mul3A_1099 = arith.constant 2 : i32
      %mul3A_1100 = vector.broadcast %mul3A_1099 : i32 to vector<16xi32>
      %mul3A_1101 = arith.muli %mul3A_1100, %get3A_1089 : vector<16xi32>
      %select_n3A_1102 = arith.select %ge3A_1092, %sub3A_1098, %mul3A_1101 : vector<16xi1>, vector<16xi32>
      %mul3A_1103 = arith.constant 512 : i32
      %mul3A_1104 = arith.muli %scan3A_215, %mul3A_1103 : i32
      %add3A_1105 = arith.constant 448 : i32
      %add3A_1106 = arith.addi %mul3A_1104, %add3A_1105 : i32
      %add3A_1107 = arith.constant 1 : i32
      %add3A_1108 = arith.addi %add3A_1106, %add3A_1107 : i32
      %add3A_1109 = vector.broadcast %add3A_1108 : i32 to vector<16xi32>
      %add3A_1110 = arith.addi %add3A_1109, %mul3A_5 : vector<16xi32>
      tpu.vector_store_idx %arg6[%add3A_1110], %select_n3A_1102 : memref<25600xi32, #tpu.memory_space<vmem>>[vector<16xi32>], vector<16xi32>,
      %mul3A_1111 = arith.constant 512 : i32
      %mul3A_1112 = arith.muli %scan3A_215, %mul3A_1111 : i32
      %add3A_1113 = arith.constant 256 : i32
      %add3A_1114 = arith.addi %mul3A_1112, %add3A_1113 : i32
      %add3A_1115 = arith.constant 240 : i32
      %add3A_1116 = arith.addi %add3A_1114, %add3A_1115 : i32
      %get3A_1117 = arith.index_cast %add3A_1116 : i32 to index
      %get3A_1118 = tpu.vector_load %arg5[%get3A_1117] {strides = array<i32>} : memref<25600xi32, #tpu.memory_space<vmem>>, vector<16xi32>,
      %ge3A_1119 = arith.constant 507904 : i32
      %ge3A_1120 = vector.broadcast %ge3A_1119 : i32 to vector<16xi32>
      %ge3A_1121 = arith.cmpi sge, %get3A_1118, %ge3A_1120 : vector<16xi32>
      %mul3A_1122 = arith.constant 2 : i32
      %mul3A_1123 = vector.broadcast %mul3A_1122 : i32 to vector<16xi32>
      %mul3A_1124 = arith.muli %mul3A_1123, %get3A_1118 : vector<16xi32>
      %sub3A_1125 = arith.constant 1015807 : i32
      %sub3A_1126 = vector.broadcast %sub3A_1125 : i32 to vector<16xi32>
      %sub3A_1127 = arith.subi %mul3A_1124, %sub3A_1126 : vector<16xi32>
      %mul3A_1128 = arith.constant 2 : i32
      %mul3A_1129 = vector.broadcast %mul3A_1128 : i32 to vector<16xi32>
      %mul3A_1130 = arith.muli %mul3A_1129, %get3A_1118 : vector<16xi32>
      %select_n3A_1131 = arith.select %ge3A_1121, %sub3A_1127, %mul3A_1130 : vector<16xi1>, vector<16xi32>
      %mul3A_1132 = arith.constant 512 : i32
      %mul3A_1133 = arith.muli %scan3A_215, %mul3A_1132 : i32
      %add3A_1134 = arith.constant 480 : i32
      %add3A_1135 = arith.addi %mul3A_1133, %add3A_1134 : i32
      %add3A_1136 = arith.constant 1 : i32
      %add3A_1137 = arith.addi %add3A_1135, %add3A_1136 : i32
      %add3A_1138 = vector.broadcast %add3A_1137 : i32 to vector<16xi32>
      %add3A_1139 = arith.addi %add3A_1138, %mul3A_5 : vector<16xi32>
      tpu.vector_store_idx %arg6[%add3A_1139], %select_n3A_1131 : memref<25600xi32, #tpu.memory_space<vmem>>[vector<16xi32>], vector<16xi32>,
    }
    %scan3A_10 = arith.constant 50 : i32
    %dma_start3A = arith.constant 0 : i32
    %dma_start3A_11 = arith.constant 0 : i32
    %dma_start3A_12 = arith.constant 0 : i32
    %dma_start3A_13 = tpu.memref_slice %arg7[%dma_start3A, %dma_start3A_11, %dma_start3A_12] : memref<4x256x64xf32, #tpu.memory_space<vmem>> -> memref<1x256x64xf32, #tpu.memory_space<vmem>>
    %dma_start3A_14 = tpu.memref_squeeze %dma_start3A_13 : memref<1x256x64xf32, #tpu.memory_space<vmem>> -> memref<256x64xf32, #tpu.memory_space<vmem>>
    %dma_start3A_15 = arith.constant 0 : i32
    %dma_start3A_16 = tpu.memref_slice %arg6[%dma_start3A_15] : memref<25600xi32, #tpu.memory_space<vmem>> -> memref<256xi32, #tpu.memory_space<vmem>>
    %dma_start3A_17 = arith.constant 0 : i32
    %dma_start3A_18 = arith.constant 0 : i32
    %dma_start3A_19 = tpu.memref_slice %arg2[%dma_start3A_17, %dma_start3A_18] : memref<1015808x64xf32, #tpu.memory_space<hbm>> -> memref<1015808x64xf32, #tpu.memory_space<hbm>>
    tpu.enqueue_indirect_dma source(%dma_start3A_19 : memref<1015808x64xf32, #tpu.memory_space<hbm>>) target(%dma_start3A_14 : memref<256x64xf32, #tpu.memory_space<vmem>>) offsets(%dma_start3A_16 : memref<256xi32, #tpu.memory_space<vmem>>) semaphore(%arg8 : memref<!tpu.dma_semaphore, #tpu.memory_space<semaphore_mem>>)
    %dma_start3A_20 = arith.constant 1 : i32
    %dma_start3A_21 = arith.constant 0 : i32
    %dma_start3A_22 = arith.constant 0 : i32
    %dma_start3A_23 = tpu.memref_slice %arg7[%dma_start3A_20, %dma_start3A_21, %dma_start3A_22] : memref<4x256x64xf32, #tpu.memory_space<vmem>> -> memref<1x256x64xf32, #tpu.memory_space<vmem>>
    %dma_start3A_24 = tpu.memref_squeeze %dma_start3A_23 : memref<1x256x64xf32, #tpu.memory_space<vmem>> -> memref<256x64xf32, #tpu.memory_space<vmem>>
    %dma_start3A_25 = arith.constant 256 : i32
    %dma_start3A_26 = tpu.memref_slice %arg6[%dma_start3A_25] : memref<25600xi32, #tpu.memory_space<vmem>> -> memref<256xi32, #tpu.memory_space<vmem>>
    %dma_start3A_27 = arith.constant 0 : i32
    %dma_start3A_28 = arith.constant 0 : i32
    %dma_start3A_29 = tpu.memref_slice %arg2[%dma_start3A_27, %dma_start3A_28] : memref<1015808x64xf32, #tpu.memory_space<hbm>> -> memref<1015808x64xf32, #tpu.memory_space<hbm>>
    tpu.enqueue_indirect_dma source(%dma_start3A_29 : memref<1015808x64xf32, #tpu.memory_space<hbm>>) target(%dma_start3A_24 : memref<256x64xf32, #tpu.memory_space<vmem>>) offsets(%dma_start3A_26 : memref<256xi32, #tpu.memory_space<vmem>>) semaphore(%arg9 : memref<!tpu.dma_semaphore, #tpu.memory_space<semaphore_mem>>)
    %dma_start3A_30 = arith.constant 2 : i32
    %dma_start3A_31 = arith.constant 0 : i32
    %dma_start3A_32 = arith.constant 0 : i32
    %dma_start3A_33 = tpu.memref_slice %arg7[%dma_start3A_30, %dma_start3A_31, %dma_start3A_32] : memref<4x256x64xf32, #tpu.memory_space<vmem>> -> memref<1x256x64xf32, #tpu.memory_space<vmem>>
    %dma_start3A_34 = tpu.memref_squeeze %dma_start3A_33 : memref<1x256x64xf32, #tpu.memory_space<vmem>> -> memref<256x64xf32, #tpu.memory_space<vmem>>
    %dma_start3A_35 = arith.constant 512 : i32
    %dma_start3A_36 = tpu.memref_slice %arg6[%dma_start3A_35] : memref<25600xi32, #tpu.memory_space<vmem>> -> memref<256xi32, #tpu.memory_space<vmem>>
    %dma_start3A_37 = arith.constant 0 : i32
    %dma_start3A_38 = arith.constant 0 : i32
    %dma_start3A_39 = tpu.memref_slice %arg2[%dma_start3A_37, %dma_start3A_38] : memref<1015808x64xf32, #tpu.memory_space<hbm>> -> memref<1015808x64xf32, #tpu.memory_space<hbm>>
    tpu.enqueue_indirect_dma source(%dma_start3A_39 : memref<1015808x64xf32, #tpu.memory_space<hbm>>) target(%dma_start3A_34 : memref<256x64xf32, #tpu.memory_space<vmem>>) offsets(%dma_start3A_36 : memref<256xi32, #tpu.memory_space<vmem>>) semaphore(%arg10 : memref<!tpu.dma_semaphore, #tpu.memory_space<semaphore_mem>>)
    %dma_start3A_40 = arith.constant 3 : i32
    %dma_start3A_41 = arith.constant 0 : i32
    %dma_start3A_42 = arith.constant 0 : i32
    %dma_start3A_43 = tpu.memref_slice %arg7[%dma_start3A_40, %dma_start3A_41, %dma_start3A_42] : memref<4x256x64xf32, #tpu.memory_space<vmem>> -> memref<1x256x64xf32, #tpu.memory_space<vmem>>
    %dma_start3A_44 = tpu.memref_squeeze %dma_start3A_43 : memref<1x256x64xf32, #tpu.memory_space<vmem>> -> memref<256x64xf32, #tpu.memory_space<vmem>>
    %dma_start3A_45 = arith.constant 768 : i32
    %dma_start3A_46 = tpu.memref_slice %arg6[%dma_start3A_45] : memref<25600xi32, #tpu.memory_space<vmem>> -> memref<256xi32, #tpu.memory_space<vmem>>
    %dma_start3A_47 = arith.constant 0 : i32
    %dma_start3A_48 = arith.constant 0 : i32
    %dma_start3A_49 = tpu.memref_slice %arg2[%dma_start3A_47, %dma_start3A_48] : memref<1015808x64xf32, #tpu.memory_space<hbm>> -> memref<1015808x64xf32, #tpu.memory_space<hbm>>
    tpu.enqueue_indirect_dma source(%dma_start3A_49 : memref<1015808x64xf32, #tpu.memory_space<hbm>>) target(%dma_start3A_44 : memref<256x64xf32, #tpu.memory_space<vmem>>) offsets(%dma_start3A_46 : memref<256xi32, #tpu.memory_space<vmem>>) semaphore(%arg11 : memref<!tpu.dma_semaphore, #tpu.memory_space<semaphore_mem>>)
    %scan3A_50 = arith.constant 0 : i32
    %scan3A_51 = arith.constant 0 : i32
    %scan3A_52 = arith.constant 24 : i32
    %scan3A_53 = arith.addi %scan3A_51, %scan3A_52 : i32
    %scan3A_54 = arith.constant 1 : i32
    scf.for %scan3A_215 = %scan3A_51 to %scan3A_53 step %scan3A_54  : i32 {
      %mul3A_216 = arith.constant 4 : i32
      %mul3A_217 = arith.muli %scan3A_215, %mul3A_216 : i32
      %add3A_218 = arith.constant 0 : i32
      %add3A_219 = arith.addi %mul3A_217, %add3A_218 : i32
      %mul3A_220 = arith.constant 256 : i32
      %mul3A_221 = arith.muli %add3A_219, %mul3A_220 : i32
      %dma_wait3A_222 = arith.constant 0 : i32
      %dma_wait3A_223 = arith.constant 0 : i32
      %dma_wait3A_224 = arith.constant 0 : i32
      %dma_wait3A_225 = tpu.memref_slice %arg7[%dma_wait3A_222, %dma_wait3A_223, %dma_wait3A_224] : memref<4x256x64xf32, #tpu.memory_space<vmem>> -> memref<1x256x64xf32, #tpu.memory_space<vmem>>
      %dma_wait3A_226 = tpu.memref_squeeze %dma_wait3A_225 : memref<1x256x64xf32, #tpu.memory_space<vmem>> -> memref<256x64xf32, #tpu.memory_space<vmem>>
      %dma_wait3A_227 = tpu.memref_slice %arg6[%mul3A_221] : memref<25600xi32, #tpu.memory_space<vmem>> -> memref<256xi32, #tpu.memory_space<vmem>>
      %dma_wait3A_228 = arith.constant 0 : i32
      %dma_wait3A_229 = arith.constant 0 : i32
      %dma_wait3A_230 = tpu.memref_slice %arg2[%dma_wait3A_228, %dma_wait3A_229] : memref<1015808x64xf32, #tpu.memory_space<hbm>> -> memref<1015808x64xf32, #tpu.memory_space<hbm>>
      tpu.wait_indirect_dma semaphore(%arg8 : memref<!tpu.dma_semaphore, #tpu.memory_space<semaphore_mem>>) src(%dma_wait3A_230 : memref<1015808x64xf32, #tpu.memory_space<hbm>>) dst(%dma_wait3A_226 : memref<256x64xf32, #tpu.memory_space<vmem>>)
      %mul3A_231 = arith.constant 256 : i32
      %mul3A_232 = arith.muli %add3A_219, %mul3A_231 : i32
      %add3A_233 = arith.addi %mul3A_2, %mul3A_232 : i32
      %dma_start3A_234 = arith.constant 0 : i32
      %dma_start3A_235 = arith.constant 0 : i32
      %dma_start3A_236 = arith.constant 0 : i32
      %dma_start3A_237 = tpu.memref_slice %arg7[%dma_start3A_234, %dma_start3A_235, %dma_start3A_236] : memref<4x256x64xf32, #tpu.memory_space<vmem>> -> memref<1x256x64xf32, #tpu.memory_space<vmem>>
      %dma_start3A_238 = tpu.memref_squeeze %dma_start3A_237 : memref<1x256x64xf32, #tpu.memory_space<vmem>> -> memref<256x64xf32, #tpu.memory_space<vmem>>
      %dma_start3A_239 = arith.constant 0 : i32
      %dma_start3A_240 = tpu.memref_slice %arg4[%add3A_233, %dma_start3A_239] : memref<819200x64xf32, #tpu.memory_space<hbm>> -> memref<256x64xf32, #tpu.memory_space<hbm>>
      %dma_start3A_241 = arith.constant 0 : i32
      %dma_start3A_242 = tpu.memref_slice %arg4[%add3A_233, %dma_start3A_241] : memref<819200x64xf32, #tpu.memory_space<hbm>> -> memref<256x64xf32, #tpu.memory_space<hbm>>
      %dma_start3A_243 = arith.constant 0 : i32
      %dma_start3A_244 = arith.constant 0 : i32
      %dma_start3A_245 = tpu.memref_slice %arg7[%dma_start3A_234, %dma_start3A_243, %dma_start3A_244] : memref<4x256x64xf32, #tpu.memory_space<vmem>> -> memref<1x256x64xf32, #tpu.memory_space<vmem>>
      %dma_start3A_246 = tpu.memref_squeeze %dma_start3A_245 : memref<1x256x64xf32, #tpu.memory_space<vmem>> -> memref<256x64xf32, #tpu.memory_space<vmem>>
      tpu.enqueue_dma source(%dma_start3A_246 : memref<256x64xf32, #tpu.memory_space<vmem>>) target(%dma_start3A_242 : memref<256x64xf32, #tpu.memory_space<hbm>>) target_semaphore(%arg12 : memref<!tpu.dma_semaphore, #tpu.memory_space<semaphore_mem>>)
      %mul3A_247 = arith.constant 4 : i32
      %mul3A_248 = arith.muli %scan3A_215, %mul3A_247 : i32
      %add3A_249 = arith.constant 1 : i32
      %add3A_250 = arith.addi %mul3A_248, %add3A_249 : i32
      %mul3A_251 = arith.constant 256 : i32
      %mul3A_252 = arith.muli %add3A_250, %mul3A_251 : i32
      %dma_wait3A_253 = arith.constant 1 : i32
      %dma_wait3A_254 = arith.constant 0 : i32
      %dma_wait3A_255 = arith.constant 0 : i32
      %dma_wait3A_256 = tpu.memref_slice %arg7[%dma_wait3A_253, %dma_wait3A_254, %dma_wait3A_255] : memref<4x256x64xf32, #tpu.memory_space<vmem>> -> memref<1x256x64xf32, #tpu.memory_space<vmem>>
      %dma_wait3A_257 = tpu.memref_squeeze %dma_wait3A_256 : memref<1x256x64xf32, #tpu.memory_space<vmem>> -> memref<256x64xf32, #tpu.memory_space<vmem>>
      %dma_wait3A_258 = tpu.memref_slice %arg6[%mul3A_252] : memref<25600xi32, #tpu.memory_space<vmem>> -> memref<256xi32, #tpu.memory_space<vmem>>
      %dma_wait3A_259 = arith.constant 0 : i32
      %dma_wait3A_260 = arith.constant 0 : i32
      %dma_wait3A_261 = tpu.memref_slice %arg2[%dma_wait3A_259, %dma_wait3A_260] : memref<1015808x64xf32, #tpu.memory_space<hbm>> -> memref<1015808x64xf32, #tpu.memory_space<hbm>>
      tpu.wait_indirect_dma semaphore(%arg9 : memref<!tpu.dma_semaphore, #tpu.memory_space<semaphore_mem>>) src(%dma_wait3A_261 : memref<1015808x64xf32, #tpu.memory_space<hbm>>) dst(%dma_wait3A_257 : memref<256x64xf32, #tpu.memory_space<vmem>>)
      %mul3A_262 = arith.constant 256 : i32
      %mul3A_263 = arith.muli %add3A_250, %mul3A_262 : i32
      %add3A_264 = arith.addi %mul3A_2, %mul3A_263 : i32
      %dma_start3A_265 = arith.constant 1 : i32
      %dma_start3A_266 = arith.constant 0 : i32
      %dma_start3A_267 = arith.constant 0 : i32
      %dma_start3A_268 = tpu.memref_slice %arg7[%dma_start3A_265, %dma_start3A_266, %dma_start3A_267] : memref<4x256x64xf32, #tpu.memory_space<vmem>> -> memref<1x256x64xf32, #tpu.memory_space<vmem>>
      %dma_start3A_269 = tpu.memref_squeeze %dma_start3A_268 : memref<1x256x64xf32, #tpu.memory_space<vmem>> -> memref<256x64xf32, #tpu.memory_space<vmem>>
      %dma_start3A_270 = arith.constant 0 : i32
      %dma_start3A_271 = tpu.memref_slice %arg4[%add3A_264, %dma_start3A_270] : memref<819200x64xf32, #tpu.memory_space<hbm>> -> memref<256x64xf32, #tpu.memory_space<hbm>>
      %dma_start3A_272 = arith.constant 0 : i32
      %dma_start3A_273 = tpu.memref_slice %arg4[%add3A_264, %dma_start3A_272] : memref<819200x64xf32, #tpu.memory_space<hbm>> -> memref<256x64xf32, #tpu.memory_space<hbm>>
      %dma_start3A_274 = arith.constant 0 : i32
      %dma_start3A_275 = arith.constant 0 : i32
      %dma_start3A_276 = tpu.memref_slice %arg7[%dma_start3A_265, %dma_start3A_274, %dma_start3A_275] : memref<4x256x64xf32, #tpu.memory_space<vmem>> -> memref<1x256x64xf32, #tpu.memory_space<vmem>>
      %dma_start3A_277 = tpu.memref_squeeze %dma_start3A_276 : memref<1x256x64xf32, #tpu.memory_space<vmem>> -> memref<256x64xf32, #tpu.memory_space<vmem>>
      tpu.enqueue_dma source(%dma_start3A_277 : memref<256x64xf32, #tpu.memory_space<vmem>>) target(%dma_start3A_273 : memref<256x64xf32, #tpu.memory_space<hbm>>) target_semaphore(%arg13 : memref<!tpu.dma_semaphore, #tpu.memory_space<semaphore_mem>>)
      %mul3A_278 = arith.constant 4 : i32
      %mul3A_279 = arith.muli %scan3A_215, %mul3A_278 : i32
      %add3A_280 = arith.constant 2 : i32
      %add3A_281 = arith.addi %mul3A_279, %add3A_280 : i32
      %mul3A_282 = arith.constant 256 : i32
      %mul3A_283 = arith.muli %add3A_281, %mul3A_282 : i32
      %dma_wait3A_284 = arith.constant 2 : i32
      %dma_wait3A_285 = arith.constant 0 : i32
      %dma_wait3A_286 = arith.constant 0 : i32
      %dma_wait3A_287 = tpu.memref_slice %arg7[%dma_wait3A_284, %dma_wait3A_285, %dma_wait3A_286] : memref<4x256x64xf32, #tpu.memory_space<vmem>> -> memref<1x256x64xf32, #tpu.memory_space<vmem>>
      %dma_wait3A_288 = tpu.memref_squeeze %dma_wait3A_287 : memref<1x256x64xf32, #tpu.memory_space<vmem>> -> memref<256x64xf32, #tpu.memory_space<vmem>>
      %dma_wait3A_289 = tpu.memref_slice %arg6[%mul3A_283] : memref<25600xi32, #tpu.memory_space<vmem>> -> memref<256xi32, #tpu.memory_space<vmem>>
      %dma_wait3A_290 = arith.constant 0 : i32
      %dma_wait3A_291 = arith.constant 0 : i32
      %dma_wait3A_292 = tpu.memref_slice %arg2[%dma_wait3A_290, %dma_wait3A_291] : memref<1015808x64xf32, #tpu.memory_space<hbm>> -> memref<1015808x64xf32, #tpu.memory_space<hbm>>
      tpu.wait_indirect_dma semaphore(%arg10 : memref<!tpu.dma_semaphore, #tpu.memory_space<semaphore_mem>>) src(%dma_wait3A_292 : memref<1015808x64xf32, #tpu.memory_space<hbm>>) dst(%dma_wait3A_288 : memref<256x64xf32, #tpu.memory_space<vmem>>)
      %mul3A_293 = arith.constant 256 : i32
      %mul3A_294 = arith.muli %add3A_281, %mul3A_293 : i32
      %add3A_295 = arith.addi %mul3A_2, %mul3A_294 : i32
      %dma_start3A_296 = arith.constant 2 : i32
      %dma_start3A_297 = arith.constant 0 : i32
      %dma_start3A_298 = arith.constant 0 : i32
      %dma_start3A_299 = tpu.memref_slice %arg7[%dma_start3A_296, %dma_start3A_297, %dma_start3A_298] : memref<4x256x64xf32, #tpu.memory_space<vmem>> -> memref<1x256x64xf32, #tpu.memory_space<vmem>>
      %dma_start3A_300 = tpu.memref_squeeze %dma_start3A_299 : memref<1x256x64xf32, #tpu.memory_space<vmem>> -> memref<256x64xf32, #tpu.memory_space<vmem>>
      %dma_start3A_301 = arith.constant 0 : i32
      %dma_start3A_302 = tpu.memref_slice %arg4[%add3A_295, %dma_start3A_301] : memref<819200x64xf32, #tpu.memory_space<hbm>> -> memref<256x64xf32, #tpu.memory_space<hbm>>
      %dma_start3A_303 = arith.constant 0 : i32
      %dma_start3A_304 = tpu.memref_slice %arg4[%add3A_295, %dma_start3A_303] : memref<819200x64xf32, #tpu.memory_space<hbm>> -> memref<256x64xf32, #tpu.memory_space<hbm>>
      %dma_start3A_305 = arith.constant 0 : i32
      %dma_start3A_306 = arith.constant 0 : i32
      %dma_start3A_307 = tpu.memref_slice %arg7[%dma_start3A_296, %dma_start3A_305, %dma_start3A_306] : memref<4x256x64xf32, #tpu.memory_space<vmem>> -> memref<1x256x64xf32, #tpu.memory_space<vmem>>
      %dma_start3A_308 = tpu.memref_squeeze %dma_start3A_307 : memref<1x256x64xf32, #tpu.memory_space<vmem>> -> memref<256x64xf32, #tpu.memory_space<vmem>>
      tpu.enqueue_dma source(%dma_start3A_308 : memref<256x64xf32, #tpu.memory_space<vmem>>) target(%dma_start3A_304 : memref<256x64xf32, #tpu.memory_space<hbm>>) target_semaphore(%arg14 : memref<!tpu.dma_semaphore, #tpu.memory_space<semaphore_mem>>)
      %mul3A_309 = arith.constant 4 : i32
      %mul3A_310 = arith.muli %scan3A_215, %mul3A_309 : i32
      %add3A_311 = arith.constant 3 : i32
      %add3A_312 = arith.addi %mul3A_310, %add3A_311 : i32
      %mul3A_313 = arith.constant 256 : i32
      %mul3A_314 = arith.muli %add3A_312, %mul3A_313 : i32
      %dma_wait3A_315 = arith.constant 3 : i32
      %dma_wait3A_316 = arith.constant 0 : i32
      %dma_wait3A_317 = arith.constant 0 : i32
      %dma_wait3A_318 = tpu.memref_slice %arg7[%dma_wait3A_315, %dma_wait3A_316, %dma_wait3A_317] : memref<4x256x64xf32, #tpu.memory_space<vmem>> -> memref<1x256x64xf32, #tpu.memory_space<vmem>>
      %dma_wait3A_319 = tpu.memref_squeeze %dma_wait3A_318 : memref<1x256x64xf32, #tpu.memory_space<vmem>> -> memref<256x64xf32, #tpu.memory_space<vmem>>
      %dma_wait3A_320 = tpu.memref_slice %arg6[%mul3A_314] : memref<25600xi32, #tpu.memory_space<vmem>> -> memref<256xi32, #tpu.memory_space<vmem>>
      %dma_wait3A_321 = arith.constant 0 : i32
      %dma_wait3A_322 = arith.constant 0 : i32
      %dma_wait3A_323 = tpu.memref_slice %arg2[%dma_wait3A_321, %dma_wait3A_322] : memref<1015808x64xf32, #tpu.memory_space<hbm>> -> memref<1015808x64xf32, #tpu.memory_space<hbm>>
      tpu.wait_indirect_dma semaphore(%arg11 : memref<!tpu.dma_semaphore, #tpu.memory_space<semaphore_mem>>) src(%dma_wait3A_323 : memref<1015808x64xf32, #tpu.memory_space<hbm>>) dst(%dma_wait3A_319 : memref<256x64xf32, #tpu.memory_space<vmem>>)
      %mul3A_324 = arith.constant 256 : i32
      %mul3A_325 = arith.muli %add3A_312, %mul3A_324 : i32
      %add3A_326 = arith.addi %mul3A_2, %mul3A_325 : i32
      %dma_start3A_327 = arith.constant 3 : i32
      %dma_start3A_328 = arith.constant 0 : i32
      %dma_start3A_329 = arith.constant 0 : i32
      %dma_start3A_330 = tpu.memref_slice %arg7[%dma_start3A_327, %dma_start3A_328, %dma_start3A_329] : memref<4x256x64xf32, #tpu.memory_space<vmem>> -> memref<1x256x64xf32, #tpu.memory_space<vmem>>
      %dma_start3A_331 = tpu.memref_squeeze %dma_start3A_330 : memref<1x256x64xf32, #tpu.memory_space<vmem>> -> memref<256x64xf32, #tpu.memory_space<vmem>>
      %dma_start3A_332 = arith.constant 0 : i32
      %dma_start3A_333 = tpu.memref_slice %arg4[%add3A_326, %dma_start3A_332] : memref<819200x64xf32, #tpu.memory_space<hbm>> -> memref<256x64xf32, #tpu.memory_space<hbm>>
      %dma_start3A_334 = arith.constant 0 : i32
      %dma_start3A_335 = tpu.memref_slice %arg4[%add3A_326, %dma_start3A_334] : memref<819200x64xf32, #tpu.memory_space<hbm>> -> memref<256x64xf32, #tpu.memory_space<hbm>>
      %dma_start3A_336 = arith.constant 0 : i32
      %dma_start3A_337 = arith.constant 0 : i32
      %dma_start3A_338 = tpu.memref_slice %arg7[%dma_start3A_327, %dma_start3A_336, %dma_start3A_337] : memref<4x256x64xf32, #tpu.memory_space<vmem>> -> memref<1x256x64xf32, #tpu.memory_space<vmem>>
      %dma_start3A_339 = tpu.memref_squeeze %dma_start3A_338 : memref<1x256x64xf32, #tpu.memory_space<vmem>> -> memref<256x64xf32, #tpu.memory_space<vmem>>
      tpu.enqueue_dma source(%dma_start3A_339 : memref<256x64xf32, #tpu.memory_space<vmem>>) target(%dma_start3A_335 : memref<256x64xf32, #tpu.memory_space<hbm>>) target_semaphore(%arg15 : memref<!tpu.dma_semaphore, #tpu.memory_space<semaphore_mem>>)
      %mul3A_340 = arith.constant 4 : i32
      %mul3A_341 = arith.muli %scan3A_215, %mul3A_340 : i32
      %add3A_342 = arith.constant 0 : i32
      %add3A_343 = arith.addi %mul3A_341, %add3A_342 : i32
      %mul3A_344 = arith.constant 256 : i32
      %mul3A_345 = arith.muli %add3A_343, %mul3A_344 : i32
      %add3A_346 = arith.addi %mul3A_2, %mul3A_345 : i32
      %dma_wait3A_347 = arith.constant 0 : i32
      %dma_wait3A_348 = arith.constant 0 : i32
      %dma_wait3A_349 = arith.constant 0 : i32
      %dma_wait3A_350 = tpu.memref_slice %arg7[%dma_wait3A_347, %dma_wait3A_348, %dma_wait3A_349] : memref<4x256x64xf32, #tpu.memory_space<vmem>> -> memref<1x256x64xf32, #tpu.memory_space<vmem>>
      %dma_wait3A_351 = tpu.memref_squeeze %dma_wait3A_350 : memref<1x256x64xf32, #tpu.memory_space<vmem>> -> memref<256x64xf32, #tpu.memory_space<vmem>>
      %dma_wait3A_352 = arith.constant 0 : i32
      %dma_wait3A_353 = tpu.memref_slice %arg4[%add3A_346, %dma_wait3A_352] : memref<819200x64xf32, #tpu.memory_space<hbm>> -> memref<256x64xf32, #tpu.memory_space<hbm>>
      %dma_wait3A_354 = arith.constant 0 : i32
      %dma_wait3A_355 = tpu.memref_slice %arg4[%add3A_346, %dma_wait3A_354] : memref<819200x64xf32, #tpu.memory_space<hbm>> -> memref<256x64xf32, #tpu.memory_space<hbm>>
      %dma_wait3A_356 = arith.constant 0 : i32
      %dma_wait3A_357 = arith.constant 0 : i32
      %dma_wait3A_358 = tpu.memref_slice %arg7[%dma_wait3A_347, %dma_wait3A_356, %dma_wait3A_357] : memref<4x256x64xf32, #tpu.memory_space<vmem>> -> memref<1x256x64xf32, #tpu.memory_space<vmem>>
      %dma_wait3A_359 = tpu.memref_squeeze %dma_wait3A_358 : memref<1x256x64xf32, #tpu.memory_space<vmem>> -> memref<256x64xf32, #tpu.memory_space<vmem>>
      tpu.wait_dma2 semaphore(%arg12 : memref<!tpu.dma_semaphore, #tpu.memory_space<semaphore_mem>>) src(%dma_wait3A_359 : memref<256x64xf32, #tpu.memory_space<vmem>>) dst(%dma_wait3A_355 : memref<256x64xf32, #tpu.memory_space<hbm>>)
      %add3A_360 = arith.constant 4 : i32
      %add3A_361 = arith.addi %add3A_343, %add3A_360 : i32
      %mul3A_362 = arith.constant 256 : i32
      %mul3A_363 = arith.muli %add3A_361, %mul3A_362 : i32
      %dma_start3A_364 = arith.constant 0 : i32
      %dma_start3A_365 = arith.constant 0 : i32
      %dma_start3A_366 = arith.constant 0 : i32
      %dma_start3A_367 = tpu.memref_slice %arg7[%dma_start3A_364, %dma_start3A_365, %dma_start3A_366] : memref<4x256x64xf32, #tpu.memory_space<vmem>> -> memref<1x256x64xf32, #tpu.memory_space<vmem>>
      %dma_start3A_368 = tpu.memref_squeeze %dma_start3A_367 : memref<1x256x64xf32, #tpu.memory_space<vmem>> -> memref<256x64xf32, #tpu.memory_space<vmem>>
      %dma_start3A_369 = tpu.memref_slice %arg6[%mul3A_363] : memref<25600xi32, #tpu.memory_space<vmem>> -> memref<256xi32, #tpu.memory_space<vmem>>
      %dma_start3A_370 = arith.constant 0 : i32
      %dma_start3A_371 = arith.constant 0 : i32
      %dma_start3A_372 = tpu.memref_slice %arg2[%dma_start3A_370, %dma_start3A_371] : memref<1015808x64xf32, #tpu.memory_space<hbm>> -> memref<1015808x64xf32, #tpu.memory_space<hbm>>
      tpu.enqueue_indirect_dma source(%dma_start3A_372 : memref<1015808x64xf32, #tpu.memory_space<hbm>>) target(%dma_start3A_368 : memref<256x64xf32, #tpu.memory_space<vmem>>) offsets(%dma_start3A_369 : memref<256xi32, #tpu.memory_space<vmem>>) semaphore(%arg8 : memref<!tpu.dma_semaphore, #tpu.memory_space<semaphore_mem>>)
      %mul3A_373 = arith.constant 4 : i32
      %mul3A_374 = arith.muli %scan3A_215, %mul3A_373 : i32
      %add3A_375 = arith.constant 1 : i32
      %add3A_376 = arith.addi %mul3A_374, %add3A_375 : i32
      %mul3A_377 = arith.constant 256 : i32
      %mul3A_378 = arith.muli %add3A_376, %mul3A_377 : i32
      %add3A_379 = arith.addi %mul3A_2, %mul3A_378 : i32
      %dma_wait3A_380 = arith.constant 1 : i32
      %dma_wait3A_381 = arith.constant 0 : i32
      %dma_wait3A_382 = arith.constant 0 : i32
      %dma_wait3A_383 = tpu.memref_slice %arg7[%dma_wait3A_380, %dma_wait3A_381, %dma_wait3A_382] : memref<4x256x64xf32, #tpu.memory_space<vmem>> -> memref<1x256x64xf32, #tpu.memory_space<vmem>>
      %dma_wait3A_384 = tpu.memref_squeeze %dma_wait3A_383 : memref<1x256x64xf32, #tpu.memory_space<vmem>> -> memref<256x64xf32, #tpu.memory_space<vmem>>
      %dma_wait3A_385 = arith.constant 0 : i32
      %dma_wait3A_386 = tpu.memref_slice %arg4[%add3A_379, %dma_wait3A_385] : memref<819200x64xf32, #tpu.memory_space<hbm>> -> memref<256x64xf32, #tpu.memory_space<hbm>>
      %dma_wait3A_387 = arith.constant 0 : i32
      %dma_wait3A_388 = tpu.memref_slice %arg4[%add3A_379, %dma_wait3A_387] : memref<819200x64xf32, #tpu.memory_space<hbm>> -> memref<256x64xf32, #tpu.memory_space<hbm>>
      %dma_wait3A_389 = arith.constant 0 : i32
      %dma_wait3A_390 = arith.constant 0 : i32
      %dma_wait3A_391 = tpu.memref_slice %arg7[%dma_wait3A_380, %dma_wait3A_389, %dma_wait3A_390] : memref<4x256x64xf32, #tpu.memory_space<vmem>> -> memref<1x256x64xf32, #tpu.memory_space<vmem>>
      %dma_wait3A_392 = tpu.memref_squeeze %dma_wait3A_391 : memref<1x256x64xf32, #tpu.memory_space<vmem>> -> memref<256x64xf32, #tpu.memory_space<vmem>>
      tpu.wait_dma2 semaphore(%arg13 : memref<!tpu.dma_semaphore, #tpu.memory_space<semaphore_mem>>) src(%dma_wait3A_392 : memref<256x64xf32, #tpu.memory_space<vmem>>) dst(%dma_wait3A_388 : memref<256x64xf32, #tpu.memory_space<hbm>>)
      %add3A_393 = arith.constant 4 : i32
      %add3A_394 = arith.addi %add3A_376, %add3A_393 : i32
      %mul3A_395 = arith.constant 256 : i32
      %mul3A_396 = arith.muli %add3A_394, %mul3A_395 : i32
      %dma_start3A_397 = arith.constant 1 : i32
      %dma_start3A_398 = arith.constant 0 : i32
      %dma_start3A_399 = arith.constant 0 : i32
      %dma_start3A_400 = tpu.memref_slice %arg7[%dma_start3A_397, %dma_start3A_398, %dma_start3A_399] : memref<4x256x64xf32, #tpu.memory_space<vmem>> -> memref<1x256x64xf32, #tpu.memory_space<vmem>>
      %dma_start3A_401 = tpu.memref_squeeze %dma_start3A_400 : memref<1x256x64xf32, #tpu.memory_space<vmem>> -> memref<256x64xf32, #tpu.memory_space<vmem>>
      %dma_start3A_402 = tpu.memref_slice %arg6[%mul3A_396] : memref<25600xi32, #tpu.memory_space<vmem>> -> memref<256xi32, #tpu.memory_space<vmem>>
      %dma_start3A_403 = arith.constant 0 : i32
      %dma_start3A_404 = arith.constant 0 : i32
      %dma_start3A_405 = tpu.memref_slice %arg2[%dma_start3A_403, %dma_start3A_404] : memref<1015808x64xf32, #tpu.memory_space<hbm>> -> memref<1015808x64xf32, #tpu.memory_space<hbm>>
      tpu.enqueue_indirect_dma source(%dma_start3A_405 : memref<1015808x64xf32, #tpu.memory_space<hbm>>) target(%dma_start3A_401 : memref<256x64xf32, #tpu.memory_space<vmem>>) offsets(%dma_start3A_402 : memref<256xi32, #tpu.memory_space<vmem>>) semaphore(%arg9 : memref<!tpu.dma_semaphore, #tpu.memory_space<semaphore_mem>>)
      %mul3A_406 = arith.constant 4 : i32
      %mul3A_407 = arith.muli %scan3A_215, %mul3A_406 : i32
      %add3A_408 = arith.constant 2 : i32
      %add3A_409 = arith.addi %mul3A_407, %add3A_408 : i32
      %mul3A_410 = arith.constant 256 : i32
      %mul3A_411 = arith.muli %add3A_409, %mul3A_410 : i32
      %add3A_412 = arith.addi %mul3A_2, %mul3A_411 : i32
      %dma_wait3A_413 = arith.constant 2 : i32
      %dma_wait3A_414 = arith.constant 0 : i32
      %dma_wait3A_415 = arith.constant 0 : i32
      %dma_wait3A_416 = tpu.memref_slice %arg7[%dma_wait3A_413, %dma_wait3A_414, %dma_wait3A_415] : memref<4x256x64xf32, #tpu.memory_space<vmem>> -> memref<1x256x64xf32, #tpu.memory_space<vmem>>
      %dma_wait3A_417 = tpu.memref_squeeze %dma_wait3A_416 : memref<1x256x64xf32, #tpu.memory_space<vmem>> -> memref<256x64xf32, #tpu.memory_space<vmem>>
      %dma_wait3A_418 = arith.constant 0 : i32
      %dma_wait3A_419 = tpu.memref_slice %arg4[%add3A_412, %dma_wait3A_418] : memref<819200x64xf32, #tpu.memory_space<hbm>> -> memref<256x64xf32, #tpu.memory_space<hbm>>
      %dma_wait3A_420 = arith.constant 0 : i32
      %dma_wait3A_421 = tpu.memref_slice %arg4[%add3A_412, %dma_wait3A_420] : memref<819200x64xf32, #tpu.memory_space<hbm>> -> memref<256x64xf32, #tpu.memory_space<hbm>>
      %dma_wait3A_422 = arith.constant 0 : i32
      %dma_wait3A_423 = arith.constant 0 : i32
      %dma_wait3A_424 = tpu.memref_slice %arg7[%dma_wait3A_413, %dma_wait3A_422, %dma_wait3A_423] : memref<4x256x64xf32, #tpu.memory_space<vmem>> -> memref<1x256x64xf32, #tpu.memory_space<vmem>>
      %dma_wait3A_425 = tpu.memref_squeeze %dma_wait3A_424 : memref<1x256x64xf32, #tpu.memory_space<vmem>> -> memref<256x64xf32, #tpu.memory_space<vmem>>
      tpu.wait_dma2 semaphore(%arg14 : memref<!tpu.dma_semaphore, #tpu.memory_space<semaphore_mem>>) src(%dma_wait3A_425 : memref<256x64xf32, #tpu.memory_space<vmem>>) dst(%dma_wait3A_421 : memref<256x64xf32, #tpu.memory_space<hbm>>)
      %add3A_426 = arith.constant 4 : i32
      %add3A_427 = arith.addi %add3A_409, %add3A_426 : i32
      %mul3A_428 = arith.constant 256 : i32
      %mul3A_429 = arith.muli %add3A_427, %mul3A_428 : i32
      %dma_start3A_430 = arith.constant 2 : i32
      %dma_start3A_431 = arith.constant 0 : i32
      %dma_start3A_432 = arith.constant 0 : i32
      %dma_start3A_433 = tpu.memref_slice %arg7[%dma_start3A_430, %dma_start3A_431, %dma_start3A_432] : memref<4x256x64xf32, #tpu.memory_space<vmem>> -> memref<1x256x64xf32, #tpu.memory_space<vmem>>
      %dma_start3A_434 = tpu.memref_squeeze %dma_start3A_433 : memref<1x256x64xf32, #tpu.memory_space<vmem>> -> memref<256x64xf32, #tpu.memory_space<vmem>>
      %dma_start3A_435 = tpu.memref_slice %arg6[%mul3A_429] : memref<25600xi32, #tpu.memory_space<vmem>> -> memref<256xi32, #tpu.memory_space<vmem>>
      %dma_start3A_436 = arith.constant 0 : i32
      %dma_start3A_437 = arith.constant 0 : i32
      %dma_start3A_438 = tpu.memref_slice %arg2[%dma_start3A_436, %dma_start3A_437] : memref<1015808x64xf32, #tpu.memory_space<hbm>> -> memref<1015808x64xf32, #tpu.memory_space<hbm>>
      tpu.enqueue_indirect_dma source(%dma_start3A_438 : memref<1015808x64xf32, #tpu.memory_space<hbm>>) target(%dma_start3A_434 : memref<256x64xf32, #tpu.memory_space<vmem>>) offsets(%dma_start3A_435 : memref<256xi32, #tpu.memory_space<vmem>>) semaphore(%arg10 : memref<!tpu.dma_semaphore, #tpu.memory_space<semaphore_mem>>)
      %mul3A_439 = arith.constant 4 : i32
      %mul3A_440 = arith.muli %scan3A_215, %mul3A_439 : i32
      %add3A_441 = arith.constant 3 : i32
      %add3A_442 = arith.addi %mul3A_440, %add3A_441 : i32
      %mul3A_443 = arith.constant 256 : i32
      %mul3A_444 = arith.muli %add3A_442, %mul3A_443 : i32
      %add3A_445 = arith.addi %mul3A_2, %mul3A_444 : i32
      %dma_wait3A_446 = arith.constant 3 : i32
      %dma_wait3A_447 = arith.constant 0 : i32
      %dma_wait3A_448 = arith.constant 0 : i32
      %dma_wait3A_449 = tpu.memref_slice %arg7[%dma_wait3A_446, %dma_wait3A_447, %dma_wait3A_448] : memref<4x256x64xf32, #tpu.memory_space<vmem>> -> memref<1x256x64xf32, #tpu.memory_space<vmem>>
      %dma_wait3A_450 = tpu.memref_squeeze %dma_wait3A_449 : memref<1x256x64xf32, #tpu.memory_space<vmem>> -> memref<256x64xf32, #tpu.memory_space<vmem>>
      %dma_wait3A_451 = arith.constant 0 : i32
      %dma_wait3A_452 = tpu.memref_slice %arg4[%add3A_445, %dma_wait3A_451] : memref<819200x64xf32, #tpu.memory_space<hbm>> -> memref<256x64xf32, #tpu.memory_space<hbm>>
      %dma_wait3A_453 = arith.constant 0 : i32
      %dma_wait3A_454 = tpu.memref_slice %arg4[%add3A_445, %dma_wait3A_453] : memref<819200x64xf32, #tpu.memory_space<hbm>> -> memref<256x64xf32, #tpu.memory_space<hbm>>
      %dma_wait3A_455 = arith.constant 0 : i32
      %dma_wait3A_456 = arith.constant 0 : i32
      %dma_wait3A_457 = tpu.memref_slice %arg7[%dma_wait3A_446, %dma_wait3A_455, %dma_wait3A_456] : memref<4x256x64xf32, #tpu.memory_space<vmem>> -> memref<1x256x64xf32, #tpu.memory_space<vmem>>
      %dma_wait3A_458 = tpu.memref_squeeze %dma_wait3A_457 : memref<1x256x64xf32, #tpu.memory_space<vmem>> -> memref<256x64xf32, #tpu.memory_space<vmem>>
      tpu.wait_dma2 semaphore(%arg15 : memref<!tpu.dma_semaphore, #tpu.memory_space<semaphore_mem>>) src(%dma_wait3A_458 : memref<256x64xf32, #tpu.memory_space<vmem>>) dst(%dma_wait3A_454 : memref<256x64xf32, #tpu.memory_space<hbm>>)
      %add3A_459 = arith.constant 4 : i32
      %add3A_460 = arith.addi %add3A_442, %add3A_459 : i32
      %mul3A_461 = arith.constant 256 : i32
      %mul3A_462 = arith.muli %add3A_460, %mul3A_461 : i32
      %dma_start3A_463 = arith.constant 3 : i32
      %dma_start3A_464 = arith.constant 0 : i32
      %dma_start3A_465 = arith.constant 0 : i32
      %dma_start3A_466 = tpu.memref_slice %arg7[%dma_start3A_463, %dma_start3A_464, %dma_start3A_465] : memref<4x256x64xf32, #tpu.memory_space<vmem>> -> memref<1x256x64xf32, #tpu.memory_space<vmem>>
      %dma_start3A_467 = tpu.memref_squeeze %dma_start3A_466 : memref<1x256x64xf32, #tpu.memory_space<vmem>> -> memref<256x64xf32, #tpu.memory_space<vmem>>
      %dma_start3A_468 = tpu.memref_slice %arg6[%mul3A_462] : memref<25600xi32, #tpu.memory_space<vmem>> -> memref<256xi32, #tpu.memory_space<vmem>>
      %dma_start3A_469 = arith.constant 0 : i32
      %dma_start3A_470 = arith.constant 0 : i32
      %dma_start3A_471 = tpu.memref_slice %arg2[%dma_start3A_469, %dma_start3A_470] : memref<1015808x64xf32, #tpu.memory_space<hbm>> -> memref<1015808x64xf32, #tpu.memory_space<hbm>>
      tpu.enqueue_indirect_dma source(%dma_start3A_471 : memref<1015808x64xf32, #tpu.memory_space<hbm>>) target(%dma_start3A_467 : memref<256x64xf32, #tpu.memory_space<vmem>>) offsets(%dma_start3A_468 : memref<256xi32, #tpu.memory_space<vmem>>) semaphore(%arg11 : memref<!tpu.dma_semaphore, #tpu.memory_space<semaphore_mem>>)
    }
    %scan3A_55 = arith.constant 24 : i32
    %dma_wait3A = arith.constant 0 : i32
    %dma_wait3A_56 = arith.constant 0 : i32
    %dma_wait3A_57 = arith.constant 0 : i32
    %dma_wait3A_58 = tpu.memref_slice %arg7[%dma_wait3A, %dma_wait3A_56, %dma_wait3A_57] : memref<4x256x64xf32, #tpu.memory_space<vmem>> -> memref<1x256x64xf32, #tpu.memory_space<vmem>>
    %dma_wait3A_59 = tpu.memref_squeeze %dma_wait3A_58 : memref<1x256x64xf32, #tpu.memory_space<vmem>> -> memref<256x64xf32, #tpu.memory_space<vmem>>
    %dma_wait3A_60 = arith.constant 24576 : i32
    %dma_wait3A_61 = tpu.memref_slice %arg6[%dma_wait3A_60] : memref<25600xi32, #tpu.memory_space<vmem>> -> memref<256xi32, #tpu.memory_space<vmem>>
    %dma_wait3A_62 = arith.constant 0 : i32
    %dma_wait3A_63 = arith.constant 0 : i32
    %dma_wait3A_64 = tpu.memref_slice %arg2[%dma_wait3A_62, %dma_wait3A_63] : memref<1015808x64xf32, #tpu.memory_space<hbm>> -> memref<1015808x64xf32, #tpu.memory_space<hbm>>
    tpu.wait_indirect_dma semaphore(%arg8 : memref<!tpu.dma_semaphore, #tpu.memory_space<semaphore_mem>>) src(%dma_wait3A_64 : memref<1015808x64xf32, #tpu.memory_space<hbm>>) dst(%dma_wait3A_59 : memref<256x64xf32, #tpu.memory_space<vmem>>)
    %add3A_65 = arith.constant 24576 : i32
    %add3A_66 = arith.addi %mul3A_2, %add3A_65 : i32
    %dma_start3A_67 = arith.constant 0 : i32
    %dma_start3A_68 = arith.constant 0 : i32
    %dma_start3A_69 = arith.constant 0 : i32
    %dma_start3A_70 = tpu.memref_slice %arg7[%dma_start3A_67, %dma_start3A_68, %dma_start3A_69] : memref<4x256x64xf32, #tpu.memory_space<vmem>> -> memref<1x256x64xf32, #tpu.memory_space<vmem>>
    %dma_start3A_71 = tpu.memref_squeeze %dma_start3A_70 : memref<1x256x64xf32, #tpu.memory_space<vmem>> -> memref<256x64xf32, #tpu.memory_space<vmem>>
    %dma_start3A_72 = arith.constant 0 : i32
    %dma_start3A_73 = tpu.memref_slice %arg4[%add3A_66, %dma_start3A_72] : memref<819200x64xf32, #tpu.memory_space<hbm>> -> memref<256x64xf32, #tpu.memory_space<hbm>>
    %dma_start3A_74 = arith.constant 0 : i32
    %dma_start3A_75 = tpu.memref_slice %arg4[%add3A_66, %dma_start3A_74] : memref<819200x64xf32, #tpu.memory_space<hbm>> -> memref<256x64xf32, #tpu.memory_space<hbm>>
    %dma_start3A_76 = arith.constant 0 : i32
    %dma_start3A_77 = arith.constant 0 : i32
    %dma_start3A_78 = tpu.memref_slice %arg7[%dma_start3A_67, %dma_start3A_76, %dma_start3A_77] : memref<4x256x64xf32, #tpu.memory_space<vmem>> -> memref<1x256x64xf32, #tpu.memory_space<vmem>>
    %dma_start3A_79 = tpu.memref_squeeze %dma_start3A_78 : memref<1x256x64xf32, #tpu.memory_space<vmem>> -> memref<256x64xf32, #tpu.memory_space<vmem>>
    tpu.enqueue_dma source(%dma_start3A_79 : memref<256x64xf32, #tpu.memory_space<vmem>>) target(%dma_start3A_75 : memref<256x64xf32, #tpu.memory_space<hbm>>) target_semaphore(%arg12 : memref<!tpu.dma_semaphore, #tpu.memory_space<semaphore_mem>>)
    %dma_wait3A_80 = arith.constant 1 : i32
    %dma_wait3A_81 = arith.constant 0 : i32
    %dma_wait3A_82 = arith.constant 0 : i32
    %dma_wait3A_83 = tpu.memref_slice %arg7[%dma_wait3A_80, %dma_wait3A_81, %dma_wait3A_82] : memref<4x256x64xf32, #tpu.memory_space<vmem>> -> memref<1x256x64xf32, #tpu.memory_space<vmem>>
    %dma_wait3A_84 = tpu.memref_squeeze %dma_wait3A_83 : memref<1x256x64xf32, #tpu.memory_space<vmem>> -> memref<256x64xf32, #tpu.memory_space<vmem>>
    %dma_wait3A_85 = arith.constant 24832 : i32
    %dma_wait3A_86 = tpu.memref_slice %arg6[%dma_wait3A_85] : memref<25600xi32, #tpu.memory_space<vmem>> -> memref<256xi32, #tpu.memory_space<vmem>>
    %dma_wait3A_87 = arith.constant 0 : i32
    %dma_wait3A_88 = arith.constant 0 : i32
    %dma_wait3A_89 = tpu.memref_slice %arg2[%dma_wait3A_87, %dma_wait3A_88] : memref<1015808x64xf32, #tpu.memory_space<hbm>> -> memref<1015808x64xf32, #tpu.memory_space<hbm>>
    tpu.wait_indirect_dma semaphore(%arg9 : memref<!tpu.dma_semaphore, #tpu.memory_space<semaphore_mem>>) src(%dma_wait3A_89 : memref<1015808x64xf32, #tpu.memory_space<hbm>>) dst(%dma_wait3A_84 : memref<256x64xf32, #tpu.memory_space<vmem>>)
    %add3A_90 = arith.constant 24832 : i32
    %add3A_91 = arith.addi %mul3A_2, %add3A_90 : i32
    %dma_start3A_92 = arith.constant 1 : i32
    %dma_start3A_93 = arith.constant 0 : i32
    %dma_start3A_94 = arith.constant 0 : i32
    %dma_start3A_95 = tpu.memref_slice %arg7[%dma_start3A_92, %dma_start3A_93, %dma_start3A_94] : memref<4x256x64xf32, #tpu.memory_space<vmem>> -> memref<1x256x64xf32, #tpu.memory_space<vmem>>
    %dma_start3A_96 = tpu.memref_squeeze %dma_start3A_95 : memref<1x256x64xf32, #tpu.memory_space<vmem>> -> memref<256x64xf32, #tpu.memory_space<vmem>>
    %dma_start3A_97 = arith.constant 0 : i32
    %dma_start3A_98 = tpu.memref_slice %arg4[%add3A_91, %dma_start3A_97] : memref<819200x64xf32, #tpu.memory_space<hbm>> -> memref<256x64xf32, #tpu.memory_space<hbm>>
    %dma_start3A_99 = arith.constant 0 : i32
    %dma_start3A_100 = tpu.memref_slice %arg4[%add3A_91, %dma_start3A_99] : memref<819200x64xf32, #tpu.memory_space<hbm>> -> memref<256x64xf32, #tpu.memory_space<hbm>>
    %dma_start3A_101 = arith.constant 0 : i32
    %dma_start3A_102 = arith.constant 0 : i32
    %dma_start3A_103 = tpu.memref_slice %arg7[%dma_start3A_92, %dma_start3A_101, %dma_start3A_102] : memref<4x256x64xf32, #tpu.memory_space<vmem>> -> memref<1x256x64xf32, #tpu.memory_space<vmem>>
    %dma_start3A_104 = tpu.memref_squeeze %dma_start3A_103 : memref<1x256x64xf32, #tpu.memory_space<vmem>> -> memref<256x64xf32, #tpu.memory_space<vmem>>
    tpu.enqueue_dma source(%dma_start3A_104 : memref<256x64xf32, #tpu.memory_space<vmem>>) target(%dma_start3A_100 : memref<256x64xf32, #tpu.memory_space<hbm>>) target_semaphore(%arg13 : memref<!tpu.dma_semaphore, #tpu.memory_space<semaphore_mem>>)
    %dma_wait3A_105 = arith.constant 2 : i32
    %dma_wait3A_106 = arith.constant 0 : i32
    %dma_wait3A_107 = arith.constant 0 : i32
    %dma_wait3A_108 = tpu.memref_slice %arg7[%dma_wait3A_105, %dma_wait3A_106, %dma_wait3A_107] : memref<4x256x64xf32, #tpu.memory_space<vmem>> -> memref<1x256x64xf32, #tpu.memory_space<vmem>>
    %dma_wait3A_109 = tpu.memref_squeeze %dma_wait3A_108 : memref<1x256x64xf32, #tpu.memory_space<vmem>> -> memref<256x64xf32, #tpu.memory_space<vmem>>
    %dma_wait3A_110 = arith.constant 25088 : i32
    %dma_wait3A_111 = tpu.memref_slice %arg6[%dma_wait3A_110] : memref<25600xi32, #tpu.memory_space<vmem>> -> memref<256xi32, #tpu.memory_space<vmem>>
    %dma_wait3A_112 = arith.constant 0 : i32
    %dma_wait3A_113 = arith.constant 0 : i32
    %dma_wait3A_114 = tpu.memref_slice %arg2[%dma_wait3A_112, %dma_wait3A_113] : memref<1015808x64xf32, #tpu.memory_space<hbm>> -> memref<1015808x64xf32, #tpu.memory_space<hbm>>
    tpu.wait_indirect_dma semaphore(%arg10 : memref<!tpu.dma_semaphore, #tpu.memory_space<semaphore_mem>>) src(%dma_wait3A_114 : memref<1015808x64xf32, #tpu.memory_space<hbm>>) dst(%dma_wait3A_109 : memref<256x64xf32, #tpu.memory_space<vmem>>)
    %add3A_115 = arith.constant 25088 : i32
    %add3A_116 = arith.addi %mul3A_2, %add3A_115 : i32
    %dma_start3A_117 = arith.constant 2 : i32
    %dma_start3A_118 = arith.constant 0 : i32
    %dma_start3A_119 = arith.constant 0 : i32
    %dma_start3A_120 = tpu.memref_slice %arg7[%dma_start3A_117, %dma_start3A_118, %dma_start3A_119] : memref<4x256x64xf32, #tpu.memory_space<vmem>> -> memref<1x256x64xf32, #tpu.memory_space<vmem>>
    %dma_start3A_121 = tpu.memref_squeeze %dma_start3A_120 : memref<1x256x64xf32, #tpu.memory_space<vmem>> -> memref<256x64xf32, #tpu.memory_space<vmem>>
    %dma_start3A_122 = arith.constant 0 : i32
    %dma_start3A_123 = tpu.memref_slice %arg4[%add3A_116, %dma_start3A_122] : memref<819200x64xf32, #tpu.memory_space<hbm>> -> memref<256x64xf32, #tpu.memory_space<hbm>>
    %dma_start3A_124 = arith.constant 0 : i32
    %dma_start3A_125 = tpu.memref_slice %arg4[%add3A_116, %dma_start3A_124] : memref<819200x64xf32, #tpu.memory_space<hbm>> -> memref<256x64xf32, #tpu.memory_space<hbm>>
    %dma_start3A_126 = arith.constant 0 : i32
    %dma_start3A_127 = arith.constant 0 : i32
    %dma_start3A_128 = tpu.memref_slice %arg7[%dma_start3A_117, %dma_start3A_126, %dma_start3A_127] : memref<4x256x64xf32, #tpu.memory_space<vmem>> -> memref<1x256x64xf32, #tpu.memory_space<vmem>>
    %dma_start3A_129 = tpu.memref_squeeze %dma_start3A_128 : memref<1x256x64xf32, #tpu.memory_space<vmem>> -> memref<256x64xf32, #tpu.memory_space<vmem>>
    tpu.enqueue_dma source(%dma_start3A_129 : memref<256x64xf32, #tpu.memory_space<vmem>>) target(%dma_start3A_125 : memref<256x64xf32, #tpu.memory_space<hbm>>) target_semaphore(%arg14 : memref<!tpu.dma_semaphore, #tpu.memory_space<semaphore_mem>>)
    %dma_wait3A_130 = arith.constant 3 : i32
    %dma_wait3A_131 = arith.constant 0 : i32
    %dma_wait3A_132 = arith.constant 0 : i32
    %dma_wait3A_133 = tpu.memref_slice %arg7[%dma_wait3A_130, %dma_wait3A_131, %dma_wait3A_132] : memref<4x256x64xf32, #tpu.memory_space<vmem>> -> memref<1x256x64xf32, #tpu.memory_space<vmem>>
    %dma_wait3A_134 = tpu.memref_squeeze %dma_wait3A_133 : memref<1x256x64xf32, #tpu.memory_space<vmem>> -> memref<256x64xf32, #tpu.memory_space<vmem>>
    %dma_wait3A_135 = arith.constant 25344 : i32
    %dma_wait3A_136 = tpu.memref_slice %arg6[%dma_wait3A_135] : memref<25600xi32, #tpu.memory_space<vmem>> -> memref<256xi32, #tpu.memory_space<vmem>>
    %dma_wait3A_137 = arith.constant 0 : i32
    %dma_wait3A_138 = arith.constant 0 : i32
    %dma_wait3A_139 = tpu.memref_slice %arg2[%dma_wait3A_137, %dma_wait3A_138] : memref<1015808x64xf32, #tpu.memory_space<hbm>> -> memref<1015808x64xf32, #tpu.memory_space<hbm>>
    tpu.wait_indirect_dma semaphore(%arg11 : memref<!tpu.dma_semaphore, #tpu.memory_space<semaphore_mem>>) src(%dma_wait3A_139 : memref<1015808x64xf32, #tpu.memory_space<hbm>>) dst(%dma_wait3A_134 : memref<256x64xf32, #tpu.memory_space<vmem>>)
    %add3A_140 = arith.constant 25344 : i32
    %add3A_141 = arith.addi %mul3A_2, %add3A_140 : i32
    %dma_start3A_142 = arith.constant 3 : i32
    %dma_start3A_143 = arith.constant 0 : i32
    %dma_start3A_144 = arith.constant 0 : i32
    %dma_start3A_145 = tpu.memref_slice %arg7[%dma_start3A_142, %dma_start3A_143, %dma_start3A_144] : memref<4x256x64xf32, #tpu.memory_space<vmem>> -> memref<1x256x64xf32, #tpu.memory_space<vmem>>
    %dma_start3A_146 = tpu.memref_squeeze %dma_start3A_145 : memref<1x256x64xf32, #tpu.memory_space<vmem>> -> memref<256x64xf32, #tpu.memory_space<vmem>>
    %dma_start3A_147 = arith.constant 0 : i32
    %dma_start3A_148 = tpu.memref_slice %arg4[%add3A_141, %dma_start3A_147] : memref<819200x64xf32, #tpu.memory_space<hbm>> -> memref<256x64xf32, #tpu.memory_space<hbm>>
    %dma_start3A_149 = arith.constant 0 : i32
    %dma_start3A_150 = tpu.memref_slice %arg4[%add3A_141, %dma_start3A_149] : memref<819200x64xf32, #tpu.memory_space<hbm>> -> memref<256x64xf32, #tpu.memory_space<hbm>>
    %dma_start3A_151 = arith.constant 0 : i32
    %dma_start3A_152 = arith.constant 0 : i32
    %dma_start3A_153 = tpu.memref_slice %arg7[%dma_start3A_142, %dma_start3A_151, %dma_start3A_152] : memref<4x256x64xf32, #tpu.memory_space<vmem>> -> memref<1x256x64xf32, #tpu.memory_space<vmem>>
    %dma_start3A_154 = tpu.memref_squeeze %dma_start3A_153 : memref<1x256x64xf32, #tpu.memory_space<vmem>> -> memref<256x64xf32, #tpu.memory_space<vmem>>
    tpu.enqueue_dma source(%dma_start3A_154 : memref<256x64xf32, #tpu.memory_space<vmem>>) target(%dma_start3A_150 : memref<256x64xf32, #tpu.memory_space<hbm>>) target_semaphore(%arg15 : memref<!tpu.dma_semaphore, #tpu.memory_space<semaphore_mem>>)
    %add3A_155 = arith.constant 24576 : i32
    %add3A_156 = arith.addi %mul3A_2, %add3A_155 : i32
    %dma_wait3A_157 = arith.constant 0 : i32
    %dma_wait3A_158 = arith.constant 0 : i32
    %dma_wait3A_159 = arith.constant 0 : i32
    %dma_wait3A_160 = tpu.memref_slice %arg7[%dma_wait3A_157, %dma_wait3A_158, %dma_wait3A_159] : memref<4x256x64xf32, #tpu.memory_space<vmem>> -> memref<1x256x64xf32, #tpu.memory_space<vmem>>
    %dma_wait3A_161 = tpu.memref_squeeze %dma_wait3A_160 : memref<1x256x64xf32, #tpu.memory_space<vmem>> -> memref<256x64xf32, #tpu.memory_space<vmem>>
    %dma_wait3A_162 = arith.constant 0 : i32
    %dma_wait3A_163 = tpu.memref_slice %arg4[%add3A_156, %dma_wait3A_162] : memref<819200x64xf32, #tpu.memory_space<hbm>> -> memref<256x64xf32, #tpu.memory_space<hbm>>
    %dma_wait3A_164 = arith.constant 0 : i32
    %dma_wait3A_165 = tpu.memref_slice %arg4[%add3A_156, %dma_wait3A_164] : memref<819200x64xf32, #tpu.memory_space<hbm>> -> memref<256x64xf32, #tpu.memory_space<hbm>>
    %dma_wait3A_166 = arith.constant 0 : i32
    %dma_wait3A_167 = arith.constant 0 : i32
    %dma_wait3A_168 = tpu.memref_slice %arg7[%dma_wait3A_157, %dma_wait3A_166, %dma_wait3A_167] : memref<4x256x64xf32, #tpu.memory_space<vmem>> -> memref<1x256x64xf32, #tpu.memory_space<vmem>>
    %dma_wait3A_169 = tpu.memref_squeeze %dma_wait3A_168 : memref<1x256x64xf32, #tpu.memory_space<vmem>> -> memref<256x64xf32, #tpu.memory_space<vmem>>
    tpu.wait_dma2 semaphore(%arg12 : memref<!tpu.dma_semaphore, #tpu.memory_space<semaphore_mem>>) src(%dma_wait3A_169 : memref<256x64xf32, #tpu.memory_space<vmem>>) dst(%dma_wait3A_165 : memref<256x64xf32, #tpu.memory_space<hbm>>)
    %add3A_170 = arith.constant 24832 : i32
    %add3A_171 = arith.addi %mul3A_2, %add3A_170 : i32
    %dma_wait3A_172 = arith.constant 1 : i32
    %dma_wait3A_173 = arith.constant 0 : i32
    %dma_wait3A_174 = arith.constant 0 : i32
    %dma_wait3A_175 = tpu.memref_slice %arg7[%dma_wait3A_172, %dma_wait3A_173, %dma_wait3A_174] : memref<4x256x64xf32, #tpu.memory_space<vmem>> -> memref<1x256x64xf32, #tpu.memory_space<vmem>>
    %dma_wait3A_176 = tpu.memref_squeeze %dma_wait3A_175 : memref<1x256x64xf32, #tpu.memory_space<vmem>> -> memref<256x64xf32, #tpu.memory_space<vmem>>
    %dma_wait3A_177 = arith.constant 0 : i32
    %dma_wait3A_178 = tpu.memref_slice %arg4[%add3A_171, %dma_wait3A_177] : memref<819200x64xf32, #tpu.memory_space<hbm>> -> memref<256x64xf32, #tpu.memory_space<hbm>>
    %dma_wait3A_179 = arith.constant 0 : i32
    %dma_wait3A_180 = tpu.memref_slice %arg4[%add3A_171, %dma_wait3A_179] : memref<819200x64xf32, #tpu.memory_space<hbm>> -> memref<256x64xf32, #tpu.memory_space<hbm>>
    %dma_wait3A_181 = arith.constant 0 : i32
    %dma_wait3A_182 = arith.constant 0 : i32
    %dma_wait3A_183 = tpu.memref_slice %arg7[%dma_wait3A_172, %dma_wait3A_181, %dma_wait3A_182] : memref<4x256x64xf32, #tpu.memory_space<vmem>> -> memref<1x256x64xf32, #tpu.memory_space<vmem>>
    %dma_wait3A_184 = tpu.memref_squeeze %dma_wait3A_183 : memref<1x256x64xf32, #tpu.memory_space<vmem>> -> memref<256x64xf32, #tpu.memory_space<vmem>>
    tpu.wait_dma2 semaphore(%arg13 : memref<!tpu.dma_semaphore, #tpu.memory_space<semaphore_mem>>) src(%dma_wait3A_184 : memref<256x64xf32, #tpu.memory_space<vmem>>) dst(%dma_wait3A_180 : memref<256x64xf32, #tpu.memory_space<hbm>>)
    %add3A_185 = arith.constant 25088 : i32
    %add3A_186 = arith.addi %mul3A_2, %add3A_185 : i32
    %dma_wait3A_187 = arith.constant 2 : i32
    %dma_wait3A_188 = arith.constant 0 : i32
    %dma_wait3A_189 = arith.constant 0 : i32
    %dma_wait3A_190 = tpu.memref_slice %arg7[%dma_wait3A_187, %dma_wait3A_188, %dma_wait3A_189] : memref<4x256x64xf32, #tpu.memory_space<vmem>> -> memref<1x256x64xf32, #tpu.memory_space<vmem>>
    %dma_wait3A_191 = tpu.memref_squeeze %dma_wait3A_190 : memref<1x256x64xf32, #tpu.memory_space<vmem>> -> memref<256x64xf32, #tpu.memory_space<vmem>>
    %dma_wait3A_192 = arith.constant 0 : i32
    %dma_wait3A_193 = tpu.memref_slice %arg4[%add3A_186, %dma_wait3A_192] : memref<819200x64xf32, #tpu.memory_space<hbm>> -> memref<256x64xf32, #tpu.memory_space<hbm>>
    %dma_wait3A_194 = arith.constant 0 : i32
    %dma_wait3A_195 = tpu.memref_slice %arg4[%add3A_186, %dma_wait3A_194] : memref<819200x64xf32, #tpu.memory_space<hbm>> -> memref<256x64xf32, #tpu.memory_space<hbm>>
    %dma_wait3A_196 = arith.constant 0 : i32
    %dma_wait3A_197 = arith.constant 0 : i32
    %dma_wait3A_198 = tpu.memref_slice %arg7[%dma_wait3A_187, %dma_wait3A_196, %dma_wait3A_197] : memref<4x256x64xf32, #tpu.memory_space<vmem>> -> memref<1x256x64xf32, #tpu.memory_space<vmem>>
    %dma_wait3A_199 = tpu.memref_squeeze %dma_wait3A_198 : memref<1x256x64xf32, #tpu.memory_space<vmem>> -> memref<256x64xf32, #tpu.memory_space<vmem>>
    tpu.wait_dma2 semaphore(%arg14 : memref<!tpu.dma_semaphore, #tpu.memory_space<semaphore_mem>>) src(%dma_wait3A_199 : memref<256x64xf32, #tpu.memory_space<vmem>>) dst(%dma_wait3A_195 : memref<256x64xf32, #tpu.memory_space<hbm>>)
    %add3A_200 = arith.constant 25344 : i32
    %add3A_201 = arith.addi %mul3A_2, %add3A_200 : i32
    %dma_wait3A_202 = arith.constant 3 : i32
    %dma_wait3A_203 = arith.constant 0 : i32
    %dma_wait3A_204 = arith.constant 0 : i32
    %dma_wait3A_205 = tpu.memref_slice %arg7[%dma_wait3A_202, %dma_wait3A_203, %dma_wait3A_204] : memref<4x256x64xf32, #tpu.memory_space<vmem>> -> memref<1x256x64xf32, #tpu.memory_space<vmem>>
    %dma_wait3A_206 = tpu.memref_squeeze %dma_wait3A_205 : memref<1x256x64xf32, #tpu.memory_space<vmem>> -> memref<256x64xf32, #tpu.memory_space<vmem>>
    %dma_wait3A_207 = arith.constant 0 : i32
    %dma_wait3A_208 = tpu.memref_slice %arg4[%add3A_201, %dma_wait3A_207] : memref<819200x64xf32, #tpu.memory_space<hbm>> -> memref<256x64xf32, #tpu.memory_space<hbm>>
    %dma_wait3A_209 = arith.constant 0 : i32
    %dma_wait3A_210 = tpu.memref_slice %arg4[%add3A_201, %dma_wait3A_209] : memref<819200x64xf32, #tpu.memory_space<hbm>> -> memref<256x64xf32, #tpu.memory_space<hbm>>
    %dma_wait3A_211 = arith.constant 0 : i32
    %dma_wait3A_212 = arith.constant 0 : i32
    %dma_wait3A_213 = tpu.memref_slice %arg7[%dma_wait3A_202, %dma_wait3A_211, %dma_wait3A_212] : memref<4x256x64xf32, #tpu.memory_space<vmem>> -> memref<1x256x64xf32, #tpu.memory_space<vmem>>
    %dma_wait3A_214 = tpu.memref_squeeze %dma_wait3A_213 : memref<1x256x64xf32, #tpu.memory_space<vmem>> -> memref<256x64xf32, #tpu.memory_space<vmem>>
    tpu.wait_dma2 semaphore(%arg15 : memref<!tpu.dma_semaphore, #tpu.memory_space<semaphore_mem>>) src(%dma_wait3A_214 : memref<256x64xf32, #tpu.memory_space<vmem>>) dst(%dma_wait3A_210 : memref<256x64xf32, #tpu.memory_space<hbm>>)
    return
  }
}

module attributes {stable_mosaic.version = 14 : i64} {
  func.func @_repack_body(%arg0: i32, %arg1: memref<64x16384xf32, #tpu.memory_space<vmem>>, %arg2: memref<64x16384xf32, #tpu.memory_space<vmem>>, %arg3: memref<16384x128xf32, #tpu.memory_space<vmem>>) attributes {dimension_semantics = [#tpu.dimension_semantics<arbitrary>], iteration_bounds = array<i64: 31>, scalar_prefetch = 0 : i64, scratch_operands = 0 : i64, tpu.core_type = #tpu.core_type<tc>, window_params = [{transform_indices = @transform_0, window_bounds = array<i64: 64, 16384>}, {transform_indices = @transform_1, window_bounds = array<i64: 64, 16384>}, {transform_indices = @transform_2, window_bounds = array<i64: 16384, 128>}]} {
    %get3A = arith.constant 0 : index
    %get3A_0 = arith.constant 0 : index
    %get3A_1 = vector.load %arg1[%get3A, %get3A_0] : memref<64x16384xf32, #tpu.memory_space<vmem>>, vector<64x16384xf32>
    %get3A_2 = arith.constant 0 : index
    %get3A_3 = arith.constant 0 : index
    %get3A_4 = vector.load %arg2[%get3A_2, %get3A_3] : memref<64x16384xf32, #tpu.memory_space<vmem>>, vector<64x16384xf32>
    %concatenate3A = tpu.concatenate %get3A_1, %get3A_4 in 0 : vector<64x16384xf32>, vector<64x16384xf32> -> vector<128x16384xf32>
    %transpose3A = tpu.transpose %concatenate3A, [1, 0] : vector<128x16384xf32> -> vector<16384x128xf32>
    %swap3A = arith.constant 0 : index
    %swap3A_5 = arith.constant 0 : index
    %swap3A_6 = vector.load %arg3[%swap3A, %swap3A_5] : memref<16384x128xf32, #tpu.memory_space<vmem>>, vector<16384x128xf32>
    tpu.vector_store %arg3[%swap3A, %swap3A_5], %transpose3A {strides = array<i32>} : memref<16384x128xf32, #tpu.memory_space<vmem>>, vector<16384x128xf32>,
    return
  }
  func.func @transform_0(%arg0: i32) -> (i32, i32) {
    %c0_i32 = arith.constant 0 : i32
    %c0_i32_0 = arith.constant 0 : i32
    return %c0_i32, %arg0 : i32, i32
  }
  func.func @transform_1(%arg0: i32) -> (i32, i32) {
    %add3A = arith.constant 31 : i32
    %add3A_0 = arith.addi %arg0, %add3A : i32
    %min3A = arith.constant 61 : i32
    %min3A_1 = arith.minsi %add3A_0, %min3A : i32
    %c0_i32 = arith.constant 0 : i32
    %c0_i32_2 = arith.constant 0 : i32
    return %c0_i32, %min3A_1 : i32, i32
  }
  func.func @transform_2(%arg0: i32) -> (i32, i32) {
    %c0_i32 = arith.constant 0 : i32
    %c0_i32_0 = arith.constant 0 : i32
    return %arg0, %c0_i32 : i32, i32
  }
}

module attributes {stable_mosaic.version = 14 : i64} {
  func.func @_unpack_body(%arg0: i32, %arg1: i32, %arg2: memref<4096x128xf32, #tpu.memory_space<vmem>>, %arg3: memref<1x64x8192xf32, #tpu.memory_space<vmem>>) attributes {dimension_semantics = [#tpu.dimension_semantics<arbitrary>, #tpu.dimension_semantics<arbitrary>], iteration_bounds = array<i64: 50, 2>, scalar_prefetch = 0 : i64, scratch_operands = 0 : i64, tpu.core_type = #tpu.core_type<tc>, window_params = [{transform_indices = @transform_0, window_bounds = array<i64: 4096, 128>}, {transform_indices = @transform_1, window_bounds = array<i64: 1, 64, 8192>}]} {
    %get3A = arith.constant 0 : index
    %get3A_0 = arith.constant 0 : index
    %get3A_1 = vector.load %arg2[%get3A, %get3A_0] : memref<4096x128xf32, #tpu.memory_space<vmem>>, vector<4096x128xf32>
    %transpose3A = tpu.transpose %get3A_1, [1, 0] : vector<4096x128xf32> -> vector<128x4096xf32>
    %slice3A = vector.extract_strided_slice %transpose3A {offsets = [0, 0], sizes = [64, 256], strides = [1, 1]} : vector<128x4096xf32> to vector<64x256xf32>
    %swap3A = arith.constant 0 : index
    %swap3A_2 = arith.constant 0 : index
    %swap3A_3 = arith.constant 0 : index
    %swap3A_4 = vector.load %arg3[%swap3A, %swap3A_2, %swap3A_3] : memref<1x64x8192xf32, #tpu.memory_space<vmem>>, vector<1x64x256xf32>
    %swap3A_5 = vector.shape_cast %swap3A_4 : vector<1x64x256xf32> to vector<64x256xf32>
    %swap3A_6 = vector.shape_cast %slice3A : vector<64x256xf32> to vector<1x64x256xf32>
    tpu.vector_store %arg3[%swap3A, %swap3A_2, %swap3A_3], %swap3A_6 {strides = array<i32>} : memref<1x64x8192xf32, #tpu.memory_space<vmem>>, vector<1x64x256xf32>,
    %slice3A_7 = vector.extract_strided_slice %transpose3A {offsets = [64, 0], sizes = [64, 256], strides = [1, 1]} : vector<128x4096xf32> to vector<64x256xf32>
    %swap3A_8 = arith.constant 0 : index
    %swap3A_9 = arith.constant 0 : index
    %swap3A_10 = arith.constant 256 : index
    %swap3A_11 = vector.load %arg3[%swap3A_8, %swap3A_9, %swap3A_10] : memref<1x64x8192xf32, #tpu.memory_space<vmem>>, vector<1x64x256xf32>
    %swap3A_12 = vector.shape_cast %swap3A_11 : vector<1x64x256xf32> to vector<64x256xf32>
    %swap3A_13 = vector.shape_cast %slice3A_7 : vector<64x256xf32> to vector<1x64x256xf32>
    tpu.vector_store %arg3[%swap3A_8, %swap3A_9, %swap3A_10], %swap3A_13 {strides = array<i32>} : memref<1x64x8192xf32, #tpu.memory_space<vmem>>, vector<1x64x256xf32>,
    %slice3A_14 = vector.extract_strided_slice %transpose3A {offsets = [0, 256], sizes = [64, 256], strides = [1, 1]} : vector<128x4096xf32> to vector<64x256xf32>
    %swap3A_15 = arith.constant 0 : index
    %swap3A_16 = arith.constant 0 : index
    %swap3A_17 = arith.constant 512 : index
    %swap3A_18 = vector.load %arg3[%swap3A_15, %swap3A_16, %swap3A_17] : memref<1x64x8192xf32, #tpu.memory_space<vmem>>, vector<1x64x256xf32>
    %swap3A_19 = vector.shape_cast %swap3A_18 : vector<1x64x256xf32> to vector<64x256xf32>
    %swap3A_20 = vector.shape_cast %slice3A_14 : vector<64x256xf32> to vector<1x64x256xf32>
    tpu.vector_store %arg3[%swap3A_15, %swap3A_16, %swap3A_17], %swap3A_20 {strides = array<i32>} : memref<1x64x8192xf32, #tpu.memory_space<vmem>>, vector<1x64x256xf32>,
    %slice3A_21 = vector.extract_strided_slice %transpose3A {offsets = [64, 256], sizes = [64, 256], strides = [1, 1]} : vector<128x4096xf32> to vector<64x256xf32>
    %swap3A_22 = arith.constant 0 : index
    %swap3A_23 = arith.constant 0 : index
    %swap3A_24 = arith.constant 768 : index
    %swap3A_25 = vector.load %arg3[%swap3A_22, %swap3A_23, %swap3A_24] : memref<1x64x8192xf32, #tpu.memory_space<vmem>>, vector<1x64x256xf32>
    %swap3A_26 = vector.shape_cast %swap3A_25 : vector<1x64x256xf32> to vector<64x256xf32>
    %swap3A_27 = vector.shape_cast %slice3A_21 : vector<64x256xf32> to vector<1x64x256xf32>
    tpu.vector_store %arg3[%swap3A_22, %swap3A_23, %swap3A_24], %swap3A_27 {strides = array<i32>} : memref<1x64x8192xf32, #tpu.memory_space<vmem>>, vector<1x64x256xf32>,
    %slice3A_28 = vector.extract_strided_slice %transpose3A {offsets = [0, 512], sizes = [64, 256], strides = [1, 1]} : vector<128x4096xf32> to vector<64x256xf32>
    %swap3A_29 = arith.constant 0 : index
    %swap3A_30 = arith.constant 0 : index
    %swap3A_31 = arith.constant 1024 : index
    %swap3A_32 = vector.load %arg3[%swap3A_29, %swap3A_30, %swap3A_31] : memref<1x64x8192xf32, #tpu.memory_space<vmem>>, vector<1x64x256xf32>
    %swap3A_33 = vector.shape_cast %swap3A_32 : vector<1x64x256xf32> to vector<64x256xf32>
    %swap3A_34 = vector.shape_cast %slice3A_28 : vector<64x256xf32> to vector<1x64x256xf32>
    tpu.vector_store %arg3[%swap3A_29, %swap3A_30, %swap3A_31], %swap3A_34 {strides = array<i32>} : memref<1x64x8192xf32, #tpu.memory_space<vmem>>, vector<1x64x256xf32>,
    %slice3A_35 = vector.extract_strided_slice %transpose3A {offsets = [64, 512], sizes = [64, 256], strides = [1, 1]} : vector<128x4096xf32> to vector<64x256xf32>
    %swap3A_36 = arith.constant 0 : index
    %swap3A_37 = arith.constant 0 : index
    %swap3A_38 = arith.constant 1280 : index
    %swap3A_39 = vector.load %arg3[%swap3A_36, %swap3A_37, %swap3A_38] : memref<1x64x8192xf32, #tpu.memory_space<vmem>>, vector<1x64x256xf32>
    %swap3A_40 = vector.shape_cast %swap3A_39 : vector<1x64x256xf32> to vector<64x256xf32>
    %swap3A_41 = vector.shape_cast %slice3A_35 : vector<64x256xf32> to vector<1x64x256xf32>
    tpu.vector_store %arg3[%swap3A_36, %swap3A_37, %swap3A_38], %swap3A_41 {strides = array<i32>} : memref<1x64x8192xf32, #tpu.memory_space<vmem>>, vector<1x64x256xf32>,
    %slice3A_42 = vector.extract_strided_slice %transpose3A {offsets = [0, 768], sizes = [64, 256], strides = [1, 1]} : vector<128x4096xf32> to vector<64x256xf32>
    %swap3A_43 = arith.constant 0 : index
    %swap3A_44 = arith.constant 0 : index
    %swap3A_45 = arith.constant 1536 : index
    %swap3A_46 = vector.load %arg3[%swap3A_43, %swap3A_44, %swap3A_45] : memref<1x64x8192xf32, #tpu.memory_space<vmem>>, vector<1x64x256xf32>
    %swap3A_47 = vector.shape_cast %swap3A_46 : vector<1x64x256xf32> to vector<64x256xf32>
    %swap3A_48 = vector.shape_cast %slice3A_42 : vector<64x256xf32> to vector<1x64x256xf32>
    tpu.vector_store %arg3[%swap3A_43, %swap3A_44, %swap3A_45], %swap3A_48 {strides = array<i32>} : memref<1x64x8192xf32, #tpu.memory_space<vmem>>, vector<1x64x256xf32>,
    %slice3A_49 = vector.extract_strided_slice %transpose3A {offsets = [64, 768], sizes = [64, 256], strides = [1, 1]} : vector<128x4096xf32> to vector<64x256xf32>
    %swap3A_50 = arith.constant 0 : index
    %swap3A_51 = arith.constant 0 : index
    %swap3A_52 = arith.constant 1792 : index
    %swap3A_53 = vector.load %arg3[%swap3A_50, %swap3A_51, %swap3A_52] : memref<1x64x8192xf32, #tpu.memory_space<vmem>>, vector<1x64x256xf32>
    %swap3A_54 = vector.shape_cast %swap3A_53 : vector<1x64x256xf32> to vector<64x256xf32>
    %swap3A_55 = vector.shape_cast %slice3A_49 : vector<64x256xf32> to vector<1x64x256xf32>
    tpu.vector_store %arg3[%swap3A_50, %swap3A_51, %swap3A_52], %swap3A_55 {strides = array<i32>} : memref<1x64x8192xf32, #tpu.memory_space<vmem>>, vector<1x64x256xf32>,
    %slice3A_56 = vector.extract_strided_slice %transpose3A {offsets = [0, 1024], sizes = [64, 256], strides = [1, 1]} : vector<128x4096xf32> to vector<64x256xf32>
    %swap3A_57 = arith.constant 0 : index
    %swap3A_58 = arith.constant 0 : index
    %swap3A_59 = arith.constant 2048 : index
    %swap3A_60 = vector.load %arg3[%swap3A_57, %swap3A_58, %swap3A_59] : memref<1x64x8192xf32, #tpu.memory_space<vmem>>, vector<1x64x256xf32>
    %swap3A_61 = vector.shape_cast %swap3A_60 : vector<1x64x256xf32> to vector<64x256xf32>
    %swap3A_62 = vector.shape_cast %slice3A_56 : vector<64x256xf32> to vector<1x64x256xf32>
    tpu.vector_store %arg3[%swap3A_57, %swap3A_58, %swap3A_59], %swap3A_62 {strides = array<i32>} : memref<1x64x8192xf32, #tpu.memory_space<vmem>>, vector<1x64x256xf32>,
    %slice3A_63 = vector.extract_strided_slice %transpose3A {offsets = [64, 1024], sizes = [64, 256], strides = [1, 1]} : vector<128x4096xf32> to vector<64x256xf32>
    %swap3A_64 = arith.constant 0 : index
    %swap3A_65 = arith.constant 0 : index
    %swap3A_66 = arith.constant 2304 : index
    %swap3A_67 = vector.load %arg3[%swap3A_64, %swap3A_65, %swap3A_66] : memref<1x64x8192xf32, #tpu.memory_space<vmem>>, vector<1x64x256xf32>
    %swap3A_68 = vector.shape_cast %swap3A_67 : vector<1x64x256xf32> to vector<64x256xf32>
    %swap3A_69 = vector.shape_cast %slice3A_63 : vector<64x256xf32> to vector<1x64x256xf32>
    tpu.vector_store %arg3[%swap3A_64, %swap3A_65, %swap3A_66], %swap3A_69 {strides = array<i32>} : memref<1x64x8192xf32, #tpu.memory_space<vmem>>, vector<1x64x256xf32>,
    %slice3A_70 = vector.extract_strided_slice %transpose3A {offsets = [0, 1280], sizes = [64, 256], strides = [1, 1]} : vector<128x4096xf32> to vector<64x256xf32>
    %swap3A_71 = arith.constant 0 : index
    %swap3A_72 = arith.constant 0 : index
    %swap3A_73 = arith.constant 2560 : index
    %swap3A_74 = vector.load %arg3[%swap3A_71, %swap3A_72, %swap3A_73] : memref<1x64x8192xf32, #tpu.memory_space<vmem>>, vector<1x64x256xf32>
    %swap3A_75 = vector.shape_cast %swap3A_74 : vector<1x64x256xf32> to vector<64x256xf32>
    %swap3A_76 = vector.shape_cast %slice3A_70 : vector<64x256xf32> to vector<1x64x256xf32>
    tpu.vector_store %arg3[%swap3A_71, %swap3A_72, %swap3A_73], %swap3A_76 {strides = array<i32>} : memref<1x64x8192xf32, #tpu.memory_space<vmem>>, vector<1x64x256xf32>,
    %slice3A_77 = vector.extract_strided_slice %transpose3A {offsets = [64, 1280], sizes = [64, 256], strides = [1, 1]} : vector<128x4096xf32> to vector<64x256xf32>
    %swap3A_78 = arith.constant 0 : index
    %swap3A_79 = arith.constant 0 : index
    %swap3A_80 = arith.constant 2816 : index
    %swap3A_81 = vector.load %arg3[%swap3A_78, %swap3A_79, %swap3A_80] : memref<1x64x8192xf32, #tpu.memory_space<vmem>>, vector<1x64x256xf32>
    %swap3A_82 = vector.shape_cast %swap3A_81 : vector<1x64x256xf32> to vector<64x256xf32>
    %swap3A_83 = vector.shape_cast %slice3A_77 : vector<64x256xf32> to vector<1x64x256xf32>
    tpu.vector_store %arg3[%swap3A_78, %swap3A_79, %swap3A_80], %swap3A_83 {strides = array<i32>} : memref<1x64x8192xf32, #tpu.memory_space<vmem>>, vector<1x64x256xf32>,
    %slice3A_84 = vector.extract_strided_slice %transpose3A {offsets = [0, 1536], sizes = [64, 256], strides = [1, 1]} : vector<128x4096xf32> to vector<64x256xf32>
    %swap3A_85 = arith.constant 0 : index
    %swap3A_86 = arith.constant 0 : index
    %swap3A_87 = arith.constant 3072 : index
    %swap3A_88 = vector.load %arg3[%swap3A_85, %swap3A_86, %swap3A_87] : memref<1x64x8192xf32, #tpu.memory_space<vmem>>, vector<1x64x256xf32>
    %swap3A_89 = vector.shape_cast %swap3A_88 : vector<1x64x256xf32> to vector<64x256xf32>
    %swap3A_90 = vector.shape_cast %slice3A_84 : vector<64x256xf32> to vector<1x64x256xf32>
    tpu.vector_store %arg3[%swap3A_85, %swap3A_86, %swap3A_87], %swap3A_90 {strides = array<i32>} : memref<1x64x8192xf32, #tpu.memory_space<vmem>>, vector<1x64x256xf32>,
    %slice3A_91 = vector.extract_strided_slice %transpose3A {offsets = [64, 1536], sizes = [64, 256], strides = [1, 1]} : vector<128x4096xf32> to vector<64x256xf32>
    %swap3A_92 = arith.constant 0 : index
    %swap3A_93 = arith.constant 0 : index
    %swap3A_94 = arith.constant 3328 : index
    %swap3A_95 = vector.load %arg3[%swap3A_92, %swap3A_93, %swap3A_94] : memref<1x64x8192xf32, #tpu.memory_space<vmem>>, vector<1x64x256xf32>
    %swap3A_96 = vector.shape_cast %swap3A_95 : vector<1x64x256xf32> to vector<64x256xf32>
    %swap3A_97 = vector.shape_cast %slice3A_91 : vector<64x256xf32> to vector<1x64x256xf32>
    tpu.vector_store %arg3[%swap3A_92, %swap3A_93, %swap3A_94], %swap3A_97 {strides = array<i32>} : memref<1x64x8192xf32, #tpu.memory_space<vmem>>, vector<1x64x256xf32>,
    %slice3A_98 = vector.extract_strided_slice %transpose3A {offsets = [0, 1792], sizes = [64, 256], strides = [1, 1]} : vector<128x4096xf32> to vector<64x256xf32>
    %swap3A_99 = arith.constant 0 : index
    %swap3A_100 = arith.constant 0 : index
    %swap3A_101 = arith.constant 3584 : index
    %swap3A_102 = vector.load %arg3[%swap3A_99, %swap3A_100, %swap3A_101] : memref<1x64x8192xf32, #tpu.memory_space<vmem>>, vector<1x64x256xf32>
    %swap3A_103 = vector.shape_cast %swap3A_102 : vector<1x64x256xf32> to vector<64x256xf32>
    %swap3A_104 = vector.shape_cast %slice3A_98 : vector<64x256xf32> to vector<1x64x256xf32>
    tpu.vector_store %arg3[%swap3A_99, %swap3A_100, %swap3A_101], %swap3A_104 {strides = array<i32>} : memref<1x64x8192xf32, #tpu.memory_space<vmem>>, vector<1x64x256xf32>,
    %slice3A_105 = vector.extract_strided_slice %transpose3A {offsets = [64, 1792], sizes = [64, 256], strides = [1, 1]} : vector<128x4096xf32> to vector<64x256xf32>
    %swap3A_106 = arith.constant 0 : index
    %swap3A_107 = arith.constant 0 : index
    %swap3A_108 = arith.constant 3840 : index
    %swap3A_109 = vector.load %arg3[%swap3A_106, %swap3A_107, %swap3A_108] : memref<1x64x8192xf32, #tpu.memory_space<vmem>>, vector<1x64x256xf32>
    %swap3A_110 = vector.shape_cast %swap3A_109 : vector<1x64x256xf32> to vector<64x256xf32>
    %swap3A_111 = vector.shape_cast %slice3A_105 : vector<64x256xf32> to vector<1x64x256xf32>
    tpu.vector_store %arg3[%swap3A_106, %swap3A_107, %swap3A_108], %swap3A_111 {strides = array<i32>} : memref<1x64x8192xf32, #tpu.memory_space<vmem>>, vector<1x64x256xf32>,
    %slice3A_112 = vector.extract_strided_slice %transpose3A {offsets = [0, 2048], sizes = [64, 256], strides = [1, 1]} : vector<128x4096xf32> to vector<64x256xf32>
    %swap3A_113 = arith.constant 0 : index
    %swap3A_114 = arith.constant 0 : index
    %swap3A_115 = arith.constant 4096 : index
    %swap3A_116 = vector.load %arg3[%swap3A_113, %swap3A_114, %swap3A_115] : memref<1x64x8192xf32, #tpu.memory_space<vmem>>, vector<1x64x256xf32>
    %swap3A_117 = vector.shape_cast %swap3A_116 : vector<1x64x256xf32> to vector<64x256xf32>
    %swap3A_118 = vector.shape_cast %slice3A_112 : vector<64x256xf32> to vector<1x64x256xf32>
    tpu.vector_store %arg3[%swap3A_113, %swap3A_114, %swap3A_115], %swap3A_118 {strides = array<i32>} : memref<1x64x8192xf32, #tpu.memory_space<vmem>>, vector<1x64x256xf32>,
    %slice3A_119 = vector.extract_strided_slice %transpose3A {offsets = [64, 2048], sizes = [64, 256], strides = [1, 1]} : vector<128x4096xf32> to vector<64x256xf32>
    %swap3A_120 = arith.constant 0 : index
    %swap3A_121 = arith.constant 0 : index
    %swap3A_122 = arith.constant 4352 : index
    %swap3A_123 = vector.load %arg3[%swap3A_120, %swap3A_121, %swap3A_122] : memref<1x64x8192xf32, #tpu.memory_space<vmem>>, vector<1x64x256xf32>
    %swap3A_124 = vector.shape_cast %swap3A_123 : vector<1x64x256xf32> to vector<64x256xf32>
    %swap3A_125 = vector.shape_cast %slice3A_119 : vector<64x256xf32> to vector<1x64x256xf32>
    tpu.vector_store %arg3[%swap3A_120, %swap3A_121, %swap3A_122], %swap3A_125 {strides = array<i32>} : memref<1x64x8192xf32, #tpu.memory_space<vmem>>, vector<1x64x256xf32>,
    %slice3A_126 = vector.extract_strided_slice %transpose3A {offsets = [0, 2304], sizes = [64, 256], strides = [1, 1]} : vector<128x4096xf32> to vector<64x256xf32>
    %swap3A_127 = arith.constant 0 : index
    %swap3A_128 = arith.constant 0 : index
    %swap3A_129 = arith.constant 4608 : index
    %swap3A_130 = vector.load %arg3[%swap3A_127, %swap3A_128, %swap3A_129] : memref<1x64x8192xf32, #tpu.memory_space<vmem>>, vector<1x64x256xf32>
    %swap3A_131 = vector.shape_cast %swap3A_130 : vector<1x64x256xf32> to vector<64x256xf32>
    %swap3A_132 = vector.shape_cast %slice3A_126 : vector<64x256xf32> to vector<1x64x256xf32>
    tpu.vector_store %arg3[%swap3A_127, %swap3A_128, %swap3A_129], %swap3A_132 {strides = array<i32>} : memref<1x64x8192xf32, #tpu.memory_space<vmem>>, vector<1x64x256xf32>,
    %slice3A_133 = vector.extract_strided_slice %transpose3A {offsets = [64, 2304], sizes = [64, 256], strides = [1, 1]} : vector<128x4096xf32> to vector<64x256xf32>
    %swap3A_134 = arith.constant 0 : index
    %swap3A_135 = arith.constant 0 : index
    %swap3A_136 = arith.constant 4864 : index
    %swap3A_137 = vector.load %arg3[%swap3A_134, %swap3A_135, %swap3A_136] : memref<1x64x8192xf32, #tpu.memory_space<vmem>>, vector<1x64x256xf32>
    %swap3A_138 = vector.shape_cast %swap3A_137 : vector<1x64x256xf32> to vector<64x256xf32>
    %swap3A_139 = vector.shape_cast %slice3A_133 : vector<64x256xf32> to vector<1x64x256xf32>
    tpu.vector_store %arg3[%swap3A_134, %swap3A_135, %swap3A_136], %swap3A_139 {strides = array<i32>} : memref<1x64x8192xf32, #tpu.memory_space<vmem>>, vector<1x64x256xf32>,
    %slice3A_140 = vector.extract_strided_slice %transpose3A {offsets = [0, 2560], sizes = [64, 256], strides = [1, 1]} : vector<128x4096xf32> to vector<64x256xf32>
    %swap3A_141 = arith.constant 0 : index
    %swap3A_142 = arith.constant 0 : index
    %swap3A_143 = arith.constant 5120 : index
    %swap3A_144 = vector.load %arg3[%swap3A_141, %swap3A_142, %swap3A_143] : memref<1x64x8192xf32, #tpu.memory_space<vmem>>, vector<1x64x256xf32>
    %swap3A_145 = vector.shape_cast %swap3A_144 : vector<1x64x256xf32> to vector<64x256xf32>
    %swap3A_146 = vector.shape_cast %slice3A_140 : vector<64x256xf32> to vector<1x64x256xf32>
    tpu.vector_store %arg3[%swap3A_141, %swap3A_142, %swap3A_143], %swap3A_146 {strides = array<i32>} : memref<1x64x8192xf32, #tpu.memory_space<vmem>>, vector<1x64x256xf32>,
    %slice3A_147 = vector.extract_strided_slice %transpose3A {offsets = [64, 2560], sizes = [64, 256], strides = [1, 1]} : vector<128x4096xf32> to vector<64x256xf32>
    %swap3A_148 = arith.constant 0 : index
    %swap3A_149 = arith.constant 0 : index
    %swap3A_150 = arith.constant 5376 : index
    %swap3A_151 = vector.load %arg3[%swap3A_148, %swap3A_149, %swap3A_150] : memref<1x64x8192xf32, #tpu.memory_space<vmem>>, vector<1x64x256xf32>
    %swap3A_152 = vector.shape_cast %swap3A_151 : vector<1x64x256xf32> to vector<64x256xf32>
    %swap3A_153 = vector.shape_cast %slice3A_147 : vector<64x256xf32> to vector<1x64x256xf32>
    tpu.vector_store %arg3[%swap3A_148, %swap3A_149, %swap3A_150], %swap3A_153 {strides = array<i32>} : memref<1x64x8192xf32, #tpu.memory_space<vmem>>, vector<1x64x256xf32>,
    %slice3A_154 = vector.extract_strided_slice %transpose3A {offsets = [0, 2816], sizes = [64, 256], strides = [1, 1]} : vector<128x4096xf32> to vector<64x256xf32>
    %swap3A_155 = arith.constant 0 : index
    %swap3A_156 = arith.constant 0 : index
    %swap3A_157 = arith.constant 5632 : index
    %swap3A_158 = vector.load %arg3[%swap3A_155, %swap3A_156, %swap3A_157] : memref<1x64x8192xf32, #tpu.memory_space<vmem>>, vector<1x64x256xf32>
    %swap3A_159 = vector.shape_cast %swap3A_158 : vector<1x64x256xf32> to vector<64x256xf32>
    %swap3A_160 = vector.shape_cast %slice3A_154 : vector<64x256xf32> to vector<1x64x256xf32>
    tpu.vector_store %arg3[%swap3A_155, %swap3A_156, %swap3A_157], %swap3A_160 {strides = array<i32>} : memref<1x64x8192xf32, #tpu.memory_space<vmem>>, vector<1x64x256xf32>,
    %slice3A_161 = vector.extract_strided_slice %transpose3A {offsets = [64, 2816], sizes = [64, 256], strides = [1, 1]} : vector<128x4096xf32> to vector<64x256xf32>
    %swap3A_162 = arith.constant 0 : index
    %swap3A_163 = arith.constant 0 : index
    %swap3A_164 = arith.constant 5888 : index
    %swap3A_165 = vector.load %arg3[%swap3A_162, %swap3A_163, %swap3A_164] : memref<1x64x8192xf32, #tpu.memory_space<vmem>>, vector<1x64x256xf32>
    %swap3A_166 = vector.shape_cast %swap3A_165 : vector<1x64x256xf32> to vector<64x256xf32>
    %swap3A_167 = vector.shape_cast %slice3A_161 : vector<64x256xf32> to vector<1x64x256xf32>
    tpu.vector_store %arg3[%swap3A_162, %swap3A_163, %swap3A_164], %swap3A_167 {strides = array<i32>} : memref<1x64x8192xf32, #tpu.memory_space<vmem>>, vector<1x64x256xf32>,
    %slice3A_168 = vector.extract_strided_slice %transpose3A {offsets = [0, 3072], sizes = [64, 256], strides = [1, 1]} : vector<128x4096xf32> to vector<64x256xf32>
    %swap3A_169 = arith.constant 0 : index
    %swap3A_170 = arith.constant 0 : index
    %swap3A_171 = arith.constant 6144 : index
    %swap3A_172 = vector.load %arg3[%swap3A_169, %swap3A_170, %swap3A_171] : memref<1x64x8192xf32, #tpu.memory_space<vmem>>, vector<1x64x256xf32>
    %swap3A_173 = vector.shape_cast %swap3A_172 : vector<1x64x256xf32> to vector<64x256xf32>
    %swap3A_174 = vector.shape_cast %slice3A_168 : vector<64x256xf32> to vector<1x64x256xf32>
    tpu.vector_store %arg3[%swap3A_169, %swap3A_170, %swap3A_171], %swap3A_174 {strides = array<i32>} : memref<1x64x8192xf32, #tpu.memory_space<vmem>>, vector<1x64x256xf32>,
    %slice3A_175 = vector.extract_strided_slice %transpose3A {offsets = [64, 3072], sizes = [64, 256], strides = [1, 1]} : vector<128x4096xf32> to vector<64x256xf32>
    %swap3A_176 = arith.constant 0 : index
    %swap3A_177 = arith.constant 0 : index
    %swap3A_178 = arith.constant 6400 : index
    %swap3A_179 = vector.load %arg3[%swap3A_176, %swap3A_177, %swap3A_178] : memref<1x64x8192xf32, #tpu.memory_space<vmem>>, vector<1x64x256xf32>
    %swap3A_180 = vector.shape_cast %swap3A_179 : vector<1x64x256xf32> to vector<64x256xf32>
    %swap3A_181 = vector.shape_cast %slice3A_175 : vector<64x256xf32> to vector<1x64x256xf32>
    tpu.vector_store %arg3[%swap3A_176, %swap3A_177, %swap3A_178], %swap3A_181 {strides = array<i32>} : memref<1x64x8192xf32, #tpu.memory_space<vmem>>, vector<1x64x256xf32>,
    %slice3A_182 = vector.extract_strided_slice %transpose3A {offsets = [0, 3328], sizes = [64, 256], strides = [1, 1]} : vector<128x4096xf32> to vector<64x256xf32>
    %swap3A_183 = arith.constant 0 : index
    %swap3A_184 = arith.constant 0 : index
    %swap3A_185 = arith.constant 6656 : index
    %swap3A_186 = vector.load %arg3[%swap3A_183, %swap3A_184, %swap3A_185] : memref<1x64x8192xf32, #tpu.memory_space<vmem>>, vector<1x64x256xf32>
    %swap3A_187 = vector.shape_cast %swap3A_186 : vector<1x64x256xf32> to vector<64x256xf32>
    %swap3A_188 = vector.shape_cast %slice3A_182 : vector<64x256xf32> to vector<1x64x256xf32>
    tpu.vector_store %arg3[%swap3A_183, %swap3A_184, %swap3A_185], %swap3A_188 {strides = array<i32>} : memref<1x64x8192xf32, #tpu.memory_space<vmem>>, vector<1x64x256xf32>,
    %slice3A_189 = vector.extract_strided_slice %transpose3A {offsets = [64, 3328], sizes = [64, 256], strides = [1, 1]} : vector<128x4096xf32> to vector<64x256xf32>
    %swap3A_190 = arith.constant 0 : index
    %swap3A_191 = arith.constant 0 : index
    %swap3A_192 = arith.constant 6912 : index
    %swap3A_193 = vector.load %arg3[%swap3A_190, %swap3A_191, %swap3A_192] : memref<1x64x8192xf32, #tpu.memory_space<vmem>>, vector<1x64x256xf32>
    %swap3A_194 = vector.shape_cast %swap3A_193 : vector<1x64x256xf32> to vector<64x256xf32>
    %swap3A_195 = vector.shape_cast %slice3A_189 : vector<64x256xf32> to vector<1x64x256xf32>
    tpu.vector_store %arg3[%swap3A_190, %swap3A_191, %swap3A_192], %swap3A_195 {strides = array<i32>} : memref<1x64x8192xf32, #tpu.memory_space<vmem>>, vector<1x64x256xf32>,
    %slice3A_196 = vector.extract_strided_slice %transpose3A {offsets = [0, 3584], sizes = [64, 256], strides = [1, 1]} : vector<128x4096xf32> to vector<64x256xf32>
    %swap3A_197 = arith.constant 0 : index
    %swap3A_198 = arith.constant 0 : index
    %swap3A_199 = arith.constant 7168 : index
    %swap3A_200 = vector.load %arg3[%swap3A_197, %swap3A_198, %swap3A_199] : memref<1x64x8192xf32, #tpu.memory_space<vmem>>, vector<1x64x256xf32>
    %swap3A_201 = vector.shape_cast %swap3A_200 : vector<1x64x256xf32> to vector<64x256xf32>
    %swap3A_202 = vector.shape_cast %slice3A_196 : vector<64x256xf32> to vector<1x64x256xf32>
    tpu.vector_store %arg3[%swap3A_197, %swap3A_198, %swap3A_199], %swap3A_202 {strides = array<i32>} : memref<1x64x8192xf32, #tpu.memory_space<vmem>>, vector<1x64x256xf32>,
    %slice3A_203 = vector.extract_strided_slice %transpose3A {offsets = [64, 3584], sizes = [64, 256], strides = [1, 1]} : vector<128x4096xf32> to vector<64x256xf32>
    %swap3A_204 = arith.constant 0 : index
    %swap3A_205 = arith.constant 0 : index
    %swap3A_206 = arith.constant 7424 : index
    %swap3A_207 = vector.load %arg3[%swap3A_204, %swap3A_205, %swap3A_206] : memref<1x64x8192xf32, #tpu.memory_space<vmem>>, vector<1x64x256xf32>
    %swap3A_208 = vector.shape_cast %swap3A_207 : vector<1x64x256xf32> to vector<64x256xf32>
    %swap3A_209 = vector.shape_cast %slice3A_203 : vector<64x256xf32> to vector<1x64x256xf32>
    tpu.vector_store %arg3[%swap3A_204, %swap3A_205, %swap3A_206], %swap3A_209 {strides = array<i32>} : memref<1x64x8192xf32, #tpu.memory_space<vmem>>, vector<1x64x256xf32>,
    %slice3A_210 = vector.extract_strided_slice %transpose3A {offsets = [0, 3840], sizes = [64, 256], strides = [1, 1]} : vector<128x4096xf32> to vector<64x256xf32>
    %swap3A_211 = arith.constant 0 : index
    %swap3A_212 = arith.constant 0 : index
    %swap3A_213 = arith.constant 7680 : index
    %swap3A_214 = vector.load %arg3[%swap3A_211, %swap3A_212, %swap3A_213] : memref<1x64x8192xf32, #tpu.memory_space<vmem>>, vector<1x64x256xf32>
    %swap3A_215 = vector.shape_cast %swap3A_214 : vector<1x64x256xf32> to vector<64x256xf32>
    %swap3A_216 = vector.shape_cast %slice3A_210 : vector<64x256xf32> to vector<1x64x256xf32>
    tpu.vector_store %arg3[%swap3A_211, %swap3A_212, %swap3A_213], %swap3A_216 {strides = array<i32>} : memref<1x64x8192xf32, #tpu.memory_space<vmem>>, vector<1x64x256xf32>,
    %slice3A_217 = vector.extract_strided_slice %transpose3A {offsets = [64, 3840], sizes = [64, 256], strides = [1, 1]} : vector<128x4096xf32> to vector<64x256xf32>
    %swap3A_218 = arith.constant 0 : index
    %swap3A_219 = arith.constant 0 : index
    %swap3A_220 = arith.constant 7936 : index
    %swap3A_221 = vector.load %arg3[%swap3A_218, %swap3A_219, %swap3A_220] : memref<1x64x8192xf32, #tpu.memory_space<vmem>>, vector<1x64x256xf32>
    %swap3A_222 = vector.shape_cast %swap3A_221 : vector<1x64x256xf32> to vector<64x256xf32>
    %swap3A_223 = vector.shape_cast %slice3A_217 : vector<64x256xf32> to vector<1x64x256xf32>
    tpu.vector_store %arg3[%swap3A_218, %swap3A_219, %swap3A_220], %swap3A_223 {strides = array<i32>} : memref<1x64x8192xf32, #tpu.memory_space<vmem>>, vector<1x64x256xf32>,
    return
  }
  func.func @transform_0(%arg0: i32, %arg1: i32) -> (i32, i32) {
    %mul3A = arith.constant 2 : i32
    %mul3A_0 = arith.muli %arg0, %mul3A : i32
    %add3A = arith.addi %mul3A_0, %arg1 : i32
    %c0_i32 = arith.constant 0 : i32
    %c0_i32_1 = arith.constant 0 : i32
    return %add3A, %c0_i32 : i32, i32
  }
  func.func @transform_1(%arg0: i32, %arg1: i32) -> (i32, i32, i32) {
    %c0_i32 = arith.constant 0 : i32
    %c0_i32_0 = arith.constant 0 : i32
    return %arg0, %c0_i32, %arg1 : i32, i32, i32
  }
}

</mosaic_0001>

<sc_bundles>
// kernel: kernel.5.cloned.1.call-start
scs
__scs_entry_jumppad:
0x0: {  	(pc) =	sbr.rel $0x88, $3  }
0x1: {  	(tag) =	ssettag $0x0;
	lr =	simm.s32 $0x1  }
0x2: {  	[smem:$0x3F9F] =	sst lr;
	_ =	strace $0xD0000000  }
0x3: {  	_ = 	snop  }
0x4: {  	_ = 	snop  }
0x5: {  	_ = 	snop  }
0x6: {  	_ = 	snop  }
0x7: {  	_ = 	snop  }
__scs_overlays_trampoline_lowered:
0x8: {  	[smem:$0x3FAE] =	sst s0  }
0x9: {  	[smem:$0x3FAF] =	sst s1  }
0xa: {  	[smem:$0x3FB0] =	sst s2  }
0xb: {  	[smem:$0x3FB1] =	sst s3  }
0xc: {  	[smem:$0x3FB2] =	sst s4  }
0xd: {  	[smem:$0x3FB3] =	sst s5  }
0xe: {  	[smem:$0x3FB4] =	sst s6  }
0xf: {  	[smem:$0x3FB5] =	sst s7  }
0x10: {  	[smem:$0x3FB6] =	sst s8  }
0x11: {  	[smem:$0x3FB7] =	sst s9;
	s0 =	simm.s32 @!p0 $0x0  }
0x12: {  	s1 =	sld [smem:$0x3F9D];
	s0 =	simm.s32 @p0 $0x1  }
0x13: {  	[smem:$0x3FB8] =	sst s0;
	s0 =	simm.s32 @!p1 $0x0  }
0x14: {  	s2 =	sld [smem:$0x3F9C];
	s0 =	simm.s32 @p1 $0x1  }
0x15: {  	[smem:$0x3FB9] =	sst s0;
	s0 =	simm.s32 @!p2 $0x0  }
0x16: {  	s3 =	sld [smem:$0x3FDB];
	s0 =	simm.s32 @p2 $0x1  }
0x17: {  	s4 =	simm.s32 $0x1BF5;
	[smem:$0x3FBB] =	sst s0  }
0x18: {  	s0 =	sld [smem:$0x3F9E];
	_ =	swait.ge [sflag:s4], $0x0  }
0x19: {  	s7 =	sld [smem:$0x3F9F]  }
0x1a: {  	s8 =	sadd.s32 $0xFFFFE003, lr  }
0x1b: {  	s9 =	sadd.s32 $0xFFFFFEF7, lr;
	s5 =	simm.s32 $0xFFFFFFFF;
	p2 =	slt.u32 s8, $0xFFFFF086  }
0x1c: {  	p1 =	slt.u32 s9, $0xF7A;
	s5 =	simm.s32 @!p2 $0x0  }
0x1d: {  	s5 =	simm.s32 @p1 $0x1;
	p0 =	seq.s32 s7, s2  }
0x1e: {  	s7 =	smul.u32 @!p0 $0xF7A, s2;
	p2 =	seq.s32 @!p0 s5, $0x0  }
0x1f: {  	s9 =	smul.u32 $0xF7A, s1;
	s8 =	simm.s32 @!p0 $0x1BF5;
	p2 =	por !p2, p0  }
0x20: {  	[sflag:s8] =	ssyncset.s32 @!p0 $0xFFFFF086;
	s6 =	sadd.s32 @!p0 s3, s7;
	s7 =	simm.s32 @!p0 $0x108  }
0x21: {  	s3 =	sadd.s32 s3, s9;
	s6 =	sadd.s32 @!p0 $0x88, s6;
	s7 =	simm.s32 @p2 $0x1082  }
0x22: {  	[simem:s7], [sflag:s8] =	dma.local @!p0 [hbm:s6], $0xF7A  }
0x23: {  	s9 =	sor.u32 $0xD0000000, s2;
	s6 =	simm.s32 $0x108;
	_ =	swait.ge @!p0 [sflag:s8], $0x0  }
0x24: {  	s3 =	sadd.s32 $0x88, s3;
	s6 =	simm.s32 @!p1 $0x1082;
	[sflag:s4] =	ssyncset.s32 $0xFFFFF086  }
0x25: {  	[simem:s6], [sflag:s4] =	dma.local [hbm:s3], $0xF7A  }
0x26: {  	[smem:$0x3F9F] =	sst s1;
	(tag) =	ssettag s2;
	_ =	strace s9  }
0x27: {  	s1 =	sld [smem:$0x3FAF]  }
0x28: {  	s2 =	sld [smem:$0x3FB0]  }
0x29: {  	s4 =	sld [smem:$0x3FB2]  }
0x2a: {  	p0 =	seq.s32 s5, $0x0;
	s5 =	sld [smem:$0x3FB3]  }
0x2b: {  	s6 =	sld [smem:$0x3FB4]  }
0x2c: {  	s7 =	sld [smem:$0x3FB5]  }
0x2d: {  	s3 =	simm.s32 $0x108;
	s8 =	sld [smem:$0x3FB6]  }
0x2e: {  	s3 =	simm.s32 @!p0 $0x1082;
	s9 =	sld [smem:$0x3FB7]  }
0x2f: {  	lr =	sadd.s32 s0, s3;
	s0 =	sld [smem:$0x3FAE]  }
0x30: {  	s3 =	sld [smem:$0x3FB1]  }
0x31: {  	[smem:$0x3FBA] =	sst s10  }
0x32: {  	s10 =	sld [smem:$0x3FB8];
	_ =	sdelay $0x3  }
0x33: {  	p0 =	seq.s32 s10, $0x1;
	s10 =	sld [smem:$0x3FBA];
	_ =	sdelay $0x3  }
0x34: {  	[smem:$0x3FBA] =	sst s10  }
0x35: {  	s10 =	sld [smem:$0x3FB9];
	_ =	sdelay $0x3  }
0x36: {  	p1 =	seq.s32 s10, $0x1;
	s10 =	sld [smem:$0x3FBA];
	_ =	sdelay $0x3  }
0x37: {  	[smem:$0x3FBA] =	sst s10  }
0x38: {  	s10 =	sld [smem:$0x3FBB]  }
0x39: {  	_ = 	snop;
	(pc) =	sbr.ind lr, $3  }
0x3a: {  	_ = 	snop  }
0x3b: {  	_ = 	snop  }
0x3c: {  	p2 =	seq.s32 s10, $0x1;
	s10 =	sld [smem:$0x3FBA]  }
0x3d: {  	_ =	shalt  }
0x3e: {  	_ =	shalt  }
0x3f: {  	_ =	shalt  }
0x40: {  	_ =	shalt  }
0x41: {  	_ =	shalt  }
0x42: {  	_ =	shalt  }
0x43: {  	_ =	shalt  }
0x44: {  	_ =	shalt  }
0x45: {  	_ =	shalt  }
0x46: {  	_ =	shalt  }
0x47: {  	_ =	shalt  }
0x48: {  	_ =	shalt  }
0x49: {  	_ =	shalt  }
0x4a: {  	_ =	shalt  }
0x4b: {  	_ =	shalt  }
0x4c: {  	_ =	shalt  }
0x4d: {  	_ =	shalt  }
0x4e: {  	_ =	shalt  }
0x4f: {  	_ =	shalt  }
0x50: {  	_ =	shalt  }
0x51: {  	_ =	shalt  }
0x52: {  	_ =	shalt  }
0x53: {  	_ =	shalt  }
0x54: {  	_ =	shalt  }
0x55: {  	_ =	shalt  }
0x56: {  	_ =	shalt  }
0x57: {  	_ =	shalt  }
0x58: {  	_ =	shalt  }
0x59: {  	_ =	shalt  }
0x5a: {  	_ =	shalt  }
0x5b: {  	_ =	shalt  }
0x5c: {  	_ =	shalt  }
0x5d: {  	_ =	shalt  }
0x5e: {  	_ =	shalt  }
0x5f: {  	_ =	shalt  }
0x60: {  	_ =	shalt  }
0x61: {  	_ =	shalt  }
0x62: {  	_ =	shalt  }
0x63: {  	_ =	shalt  }
0x64: {  	_ =	shalt  }
0x65: {  	_ =	shalt  }
0x66: {  	_ =	shalt  }
0x67: {  	_ =	shalt  }
0x68: {  	_ =	shalt  }
0x69: {  	_ =	shalt  }
0x6a: {  	_ =	shalt  }
0x6b: {  	_ =	shalt  }
0x6c: {  	_ =	shalt  }
0x6d: {  	_ =	shalt  }
0x6e: {  	_ =	shalt  }
0x6f: {  	_ =	shalt  }
0x70: {  	_ =	shalt  }
0x71: {  	_ =	shalt  }
0x72: {  	_ =	shalt  }
0x73: {  	_ =	shalt  }
0x74: {  	_ =	shalt  }
0x75: {  	_ =	shalt  }
0x76: {  	_ =	shalt  }
0x77: {  	_ =	shalt  }
0x78: {  	_ =	shalt  }
0x79: {  	_ =	shalt  }
0x7a: {  	_ =	shalt  }
0x7b: {  	_ =	shalt  }
0x7c: {  	_ =	shalt  }
0x7d: {  	_ =	shalt  }
0x7e: {  	_ =	shalt  }
0x7f: {  	_ =	shalt  }
0x80: {  	_ =	shalt  }
0x81: {  	_ =	shalt  }
0x82: {  	_ =	shalt  }
0x83: {  	_ =	shalt  }
0x84: {  	_ =	shalt  }
0x85: {  	_ =	shalt  }
0x86: {  	_ =	shalt  }
0x87: {  	_ =	shalt  }
.Lfunc_end0:
.L_simem_size_0:
called_computation_lowered:
.L_overlay_start_0:
0x88: {  	s2 =	sld [smem:$0x3FD9]  }
0x89: {  	s3 =	sld [smem:$0x3FFE];
	_ =	sdelay $0x1  }
0x8a: {  	s1 =	srdreg.scid  }
0x8b: {  	s0 =	sand.u32 $0x1, s1  }
0x8c: {  	s17 =	sshll.u32 s0, $0xA;
	s2 =	sadd.s32 s3, s2  }
0x8d: {  	s2 =	sadd.s32 s2, s17  }
0x8e: {  	[smem:$0x3FC6] =	sst s2  }
0x8f: {  	_ = 	snop  }
0x90: {  	s2 =	sld [smem:$0x3FD0];
	(tm) =	ssettm $0x1  }
0x91: {  	s18 =	sld [smem:$0x3FFB];
	_ =	sdelay $0x3  }
0x92: {  	_ =	strace s18  }
0x93: {  	s3 =	sld [smem:$0x3FFC];
	_ =	sdelay $0x3  }
0x94: {  	_ =	strace s3  }
0x95: {  	s3 =	sld [smem:$0x3FFD];
	_ =	sdelay $0x3  }
0x96: {  	_ =	strace s3  }
0x97: {  	_ =	strace $0x8FFFFFFF  }
0x98: {  	s19 =	sld [smem:$0x3FDB];
	_ =	sdelay $0x1  }
0x99: {  	s4 =	simm.s32 $_scs_section_size  }
0x9a: {  	s5 =	simm.s32 $_size__tile_overlayer_lowered;
	s6 =	simm.s32 $_tile_overlayer_lowered  }
0x9b: {  	s22 =	simm.s32 $0x1BFF;
	s21 =	sshll.u32 s6, $0x1;
	s3 =	sadd.s32 s4, s19  }
0x9c: {  	s7 =	simm.s32 $0x0;
	s20 =	sshll.u32 s5, $0x1;
	s5 =	sadd.s32 s21, s3  }
0x9d: {  	[timem:s7], [sflag:s22] =	dma.local [hbm:s5], s20  }
0x9e: {  	_ =	swait.ge [sflag:s22], s20  }
0x9f: {  	s4 =	ssub.s32 $0x0, s20;
	[sflag:s22] =	ssyncset.done $0x0  }
0xa0: {  	[sflag:s22] =	ssyncadd.s32 s4;
	_ =	sdelay $0x1  }
0xa1: {  	s23 =	simm.s32 $0x1B8B  }
0xa2: {  	_ =	swait.ge [sflag:s23], $0x1  }
0xa3: {  	[sflag:s23] =	ssyncset.done $0x0  }
0xa4: {  	s25 =	simm.s32 $0x1B8E;
	s24 =	sld [smem:$0x3FFE];
	[sflag:s23] =	ssyncadd.s32 $0xFFFFFFFF  }
0xa5: {  	s26 =	simm.s32 $execute0_lowered;
	[smem:$0x3FD2] =	sst s25  }
0xa6: {  	s5 =	sshll.u32 s26, $0x1;
	_ =	strace $0x80000046;
	[dreg:$0x1] =	wrdreg $0xFFFFFFFF  }
0xa7: {  	s28 =	simm.s32 $_size_execute0_lowered;
	s3 =	sadd.s32 s3, s5;
	[dreg:$0x0] =	wrdreg $0x0  }
0xa8: {  	s5 =	sshll.u32 s28, $0x1;
	[dreg:$0x2] =	wrdreg s3  }
0xa9: {  	[dreg:$0x3] =	wrdreg s5  }
0xaa: {  	[dreg:$0x4] =	wrdreg $0xC0  }
0xab: {  	_ =	task [dreg:s7], $0x5FFFF  }
0xac: {  	[dreg:$0x1] =	wrdreg $0xFFFFFFFF  }
0xad: {  	[dreg:$0x0] =	wrdreg $0x60  }
0xae: {  	[dreg:$0x2] =	wrdreg s24  }
0xaf: {  	[dreg:$0x3] =	wrdreg s2  }
0xb0: {  	[dreg:$0x4] =	wrdreg $0x9  }
0xb1: {  	_ =	task.clear_ibuf [dreg:s7], $0x5FFFF;
	_ =	strace $0x90000046  }
0xb2: {  	s29 =	simm.s32 $0x9;
	_ =	strace $0x80000048  }
0xb3: {  	_ =	swait.ge [sflag:s29], $0x1  }
0xb4: {  	[sflag:s29] =	ssyncadd.s32 $0xFFFFFFFF  }
0xb5: {  	_ =	strace $0x90000048  }
0xb6: {  	_ =	sfence  }
0xb7: {  	s30 =	sld [smem:$0x0];
	_ =	sdelay $0x2  }
0xb8: {  	s31 =	sshll.u32 s1, $0xD;
	s1 =	sshrl.u32 s1, $0x2  }
0xb9: {  	s3 =	sand.u32 $0x4000, s31;
	s1 =	sadd.s32 s1, s30  }
0xba: {  	s0 =	sor.u32 s3, s0;
	s1 =	sshll.u32 s1, $0x11  }
0xbb: {  	s0 =	sor.u32 s1, s0  }
0xbc: {  	s0 =	sadd.s32 $0x8F2B, s0  }
0xbd: {  	[sflag:s0] =	ssyncadd.remote.s32 $0x1  }
0xbe: {  	_ =	sfence.sel $0xFFFF  }
0xbf: {  	[dreg:$0x0] =	wrdreg $0xFFFFFFFF;
	(pc) =	sbr.abs _section_cstart, $3  }
0xc0: {  	[dreg:$0x1] =	wrdreg $0xFFFFFFFF  }
0xc1: {  	_ =	task.clear_ibuf [dreg:s7], $0x2FFFF;
	_ =	strace $0x9FFFFFFF  }
0xc2: {  	(tm) =	ssettm $0x7FFFFFFF  }
0xc3: {  	_ =	shalt  }
tec
execute0_lowered:
.L_overlay_start_1:
0x0: {  	(tag) =	ssettag $0x1  }
0x1: {  	s0 =	rddreg [dreg:$0x0]  }
0x2: {  	s1 =	srdreg.scid;
	s11 =	stileid.u32  }
0x3: {  	s4 =	rddreg [dreg:$0x1];
	s2 =	simm.s32 $0x0;
	s14 =	simm.s32 $0x9  }
0x4: {  	s15 =	simm.s32 $0x6400;
	s16 =	simm.s32 $0x100;
	s17 =	simm.s32 $0xC800  }
0x5: {  	s19 =	simm.s32 $0x10800;
	s28 =	simm.s32 $0x4;
	s9 =	smul.u32 $0x320000, s11  }
0x6: {  	s29 =	simm.s32 $0x5;
	s1 =	sand.u32 $0x1, s1;
	s21 =	smul.u32 $0xC800, s11  }
0x7: {  	s30 =	simm.s32 $0x6;
	s3 =	sshll.u32 s11, $0x1;
	s23 =	smul.u32 $0x6400, s1  }
0x8: {  	s3 =	sor.u32 s1, s3;
	s6 =	ssub.s32 $0x2, s1;
	s1 =	smul.u32 $0x190000, s1  }
0x9: {  	s31 =	simm.s32 $0x7;
	[smem:$0x7FF] =	sst s2;
	s5 =	smul.u32 $0x6400, s3  }
0xa: {  	_ =	strace $0x80000047;
	s7 =	smul.u32 $0x190000, s3;
	s8 =	sshrl.u32 s6, $0x1  }
0xb: {  	s3 =	sadd.s32 $0x400, s0;
	s0 =	sadd.s32 $0x7C0400, s0;
	s10 =	ssub.s32 s6, s8  }
0xc: {  	s8 =	sadd.s32 s23, s21;
	s1 =	sadd.s32 s1, s9;
	s21 =	simm.s32 $0x14800  }
0xd: {  	s23 =	simm.s32 $0x18800;
	s5 =	sshrl.u32 s5, $0x3;
	s22 =	sshrl.u32 s7, $0x3  }
0xe: {  	s26 =	sshll.u32 s8, $0x3;
	s1 =	sshrl.u32 s1, $0x3;
	s9 =	smax.u32 s10, $0x1  }
0xf: {  	s4 =	sadd.s32 s4, s5;
	s24 =	sadd.s32 s0, s22;
	s13 =	sadd.s32 s26, s0  }
0x10: {  	s10 =	sadd.s32 s1, s0;
	s26 =	simm.s32 $0x3;
	s1 =	simm.s32 $0x8  }
0x11: {  	s0 =	simm.s32 $0x0;
	[dreg:$0x3] =	wrdreg s4;
	s25 =	sadd.s32 $0x30000, s24  }
0x12: {  	s6 =	sadd.s32 $0x30800, s24;
	s7 =	sadd.s32 $0x31000, s24;
	s8 =	sadd.s32 $0x31800, s24  }
0x13: {  	v0 =	vlaneseq.u32;
	s11 =	sadd.s32 $0x1800, s13;
	s12 =	sadd.s32 $0x1000, s13;
	s13 =	sadd.s32 $0x800, s13  }
0x14: {  	v0 =	vmul.u32 $0x2, v0;
	s24 =	simm.s32 $0x1;
	[dreg:$0x4] =	wrdreg s25;
	s25 =	simm.s32 $0x2  }
.LBB2_1:
0x15: {  	s4 =	rddreg [dreg:$0x3]  }
0x16: {  	[tilespmem:s2], [sflag:$0x9] =	stream.linear.gather [hbm4b:s4+s2], $0x6400, $0x38;
	[tilespmem:$0x1C800] =	vst v63  }
0x17: {  	_ =	swait.ge [sflag:s14], $0x6400  }
0x18: {  	[sflag:s14] =	ssyncset.done $0x0  }
0x19: {  	[sflag:s14] =	ssyncadd.s32 $0xFFFF9C00  }
0x1a: {  	v1 =	vld [tilespmem:s16+$0xFFFFFF00];
	_ =	sdelay $0x1  }
0x1b: {  	s18 =	simm.s32 $0x0  }
0x1c: {  	v2 =	vor.u32 s18, v0;
	_ =	sdelay $0x1  }
0x1d: {  	v3 =	vshll.u32 v1, $0x1  }
0x1e: {  	vm0 =	vgt.s32 v1, $0x7BFFF;
	v1 =	vadd.s32 $0xFFF08001, v3  }
0x1f: {  	v1 =	vsel vm0, v1, v3  }
0x20: {  	[tilespmem:v2+s15+$0x0] =	vst.idx.msk $0xffff, v1  }
0x21: {  	v1 =	vld [tilespmem:s16+$0xFFFFFF10];
	_ =	sdelay $0x1  }
0x22: {  	s20 =	simm.s32 $0x20  }
0x23: {  	v2 =	vor.u32 s20, v0;
	_ =	sdelay $0x1  }
0x24: {  	v3 =	vshll.u32 v1, $0x1  }
0x25: {  	vm9 =	vgt.s32 v1, $0x7BFFF;
	v1 =	vadd.s32 $0xFFF08001, v3  }
0x26: {  	v1 =	vsel vm9, v1, v3  }
0x27: {  	[tilespmem:v2+s15+$0x0] =	vst.idx.msk $0xffff, v1  }
0x28: {  	v1 =	vld [tilespmem:s16+$0xFFFFFF20];
	_ =	sdelay $0x1  }
0x29: {  	s22 =	simm.s32 $0x40  }
0x2a: {  	v2 =	vor.u32 s22, v0;
	_ =	sdelay $0x1  }
0x2b: {  	v3 =	vshll.u32 v1, $0x1  }
0x2c: {  	vm10 =	vgt.s32 v1, $0x7BFFF;
	v1 =	vadd.s32 $0xFFF08001, v3  }
0x2d: {  	v1 =	vsel vm10, v1, v3  }
0x2e: {  	[tilespmem:v2+s15+$0x0] =	vst.idx.msk $0xffff, v1  }
0x2f: {  	v1 =	vld [tilespmem:s16+$0xFFFFFF30];
	_ =	sdelay $0x1  }
0x30: {  	s4 =	simm.s32 $0x60  }
0x31: {  	v2 =	vor.u32 s4, v0;
	_ =	sdelay $0x1  }
0x32: {  	v3 =	vshll.u32 v1, $0x1  }
0x33: {  	vm11 =	vgt.s32 v1, $0x7BFFF;
	v1 =	vadd.s32 $0xFFF08001, v3  }
0x34: {  	v1 =	vsel vm11, v1, v3  }
0x35: {  	[tilespmem:v2+s15+$0x0] =	vst.idx.msk $0xffff, v1  }
0x36: {  	v1 =	vld [tilespmem:s16+$0xFFFFFF40];
	_ =	sdelay $0x1  }
0x37: {  	s5 =	simm.s32 $0x80  }
0x38: {  	v2 =	vor.u32 s5, v0;
	_ =	sdelay $0x1  }
0x39: {  	v3 =	vshll.u32 v1, $0x1  }
0x3a: {  	vm12 =	vgt.s32 v1, $0x7BFFF;
	v1 =	vadd.s32 $0xFFF08001, v3  }
0x3b: {  	v1 =	vsel vm12, v1, v3  }
0x3c: {  	[tilespmem:v2+s15+$0x0] =	vst.idx.msk $0xffff, v1  }
0x3d: {  	v1 =	vld [tilespmem:s16+$0xFFFFFF50];
	_ =	sdelay $0x1  }
0x3e: {  	s20 =	simm.s32 $0xA0  }
0x3f: {  	v2 =	vor.u32 s20, v0;
	_ =	sdelay $0x1  }
0x40: {  	v3 =	vshll.u32 v1, $0x1  }
0x41: {  	vm13 =	vgt.s32 v1, $0x7BFFF;
	v1 =	vadd.s32 $0xFFF08001, v3  }
0x42: {  	v1 =	vsel vm13, v1, v3  }
0x43: {  	[tilespmem:v2+s15+$0x0] =	vst.idx.msk $0xffff, v1  }
0x44: {  	v1 =	vld [tilespmem:s16+$0xFFFFFF60];
	_ =	sdelay $0x1  }
0x45: {  	s22 =	simm.s32 $0xC0  }
0x46: {  	v2 =	vor.u32 s22, v0;
	_ =	sdelay $0x1  }
0x47: {  	v3 =	vshll.u32 v1, $0x1  }
0x48: {  	vm14 =	vgt.s32 v1, $0x7BFFF;
	v1 =	vadd.s32 $0xFFF08001, v3  }
0x49: {  	v1 =	vsel vm14, v1, v3  }
0x4a: {  	[tilespmem:v2+s15+$0x0] =	vst.idx.msk $0xffff, v1  }
0x4b: {  	v1 =	vld [tilespmem:s16+$0xFFFFFF70];
	_ =	sdelay $0x1  }
0x4c: {  	s4 =	simm.s32 $0xE0  }
0x4d: {  	v2 =	vor.u32 s4, v0;
	_ =	sdelay $0x1  }
0x4e: {  	v3 =	vshll.u32 v1, $0x1  }
0x4f: {  	vm15 =	vgt.s32 v1, $0x7BFFF;
	v1 =	vadd.s32 $0xFFF08001, v3  }
0x50: {  	v1 =	vsel vm15, v1, v3  }
0x51: {  	[tilespmem:v2+s15+$0x0] =	vst.idx.msk $0xffff, v1  }
0x52: {  	v1 =	vld [tilespmem:s16+$0xFFFFFF80];
	_ =	sdelay $0x1  }
0x53: {  	s5 =	simm.s32 $0x100  }
0x54: {  	v2 =	vor.u32 s5, v0;
	_ =	sdelay $0x1  }
0x55: {  	v3 =	vshll.u32 v1, $0x1  }
0x56: {  	vm4 =	vgt.s32 v1, $0x7BFFF;
	v1 =	vadd.s32 $0xFFF08001, v3  }
0x57: {  	v1 =	vsel vm4, v1, v3  }
0x58: {  	[tilespmem:v2+s15+$0x0] =	vst.idx.msk $0xffff, v1  }
0x59: {  	v1 =	vld [tilespmem:s16+$0xFFFFFF90];
	_ =	sdelay $0x1  }
0x5a: {  	s20 =	simm.s32 $0x120  }
0x5b: {  	v2 =	vor.u32 s20, v0;
	_ =	sdelay $0x1  }
0x5c: {  	v3 =	vshll.u32 v1, $0x1  }
0x5d: {  	vm5 =	vgt.s32 v1, $0x7BFFF;
	v1 =	vadd.s32 $0xFFF08001, v3  }
0x5e: {  	v1 =	vsel vm5, v1, v3  }
0x5f: {  	[tilespmem:v2+s15+$0x0] =	vst.idx.msk $0xffff, v1  }
0x60: {  	v1 =	vld [tilespmem:s16+$0xFFFFFFA0];
	_ =	sdelay $0x1  }
0x61: {  	s22 =	simm.s32 $0x140  }
0x62: {  	v2 =	vor.u32 s22, v0;
	_ =	sdelay $0x1  }
0x63: {  	v3 =	vshll.u32 v1, $0x1  }
0x64: {  	vm6 =	vgt.s32 v1, $0x7BFFF;
	v1 =	vadd.s32 $0xFFF08001, v3  }
0x65: {  	v1 =	vsel vm6, v1, v3  }
0x66: {  	[tilespmem:v2+s15+$0x0] =	vst.idx.msk $0xffff, v1  }
0x67: {  	v1 =	vld [tilespmem:s16+$0xFFFFFFB0];
	_ =	sdelay $0x1  }
0x68: {  	s4 =	simm.s32 $0x160  }
0x69: {  	v2 =	vor.u32 s4, v0;
	_ =	sdelay $0x1  }
0x6a: {  	v3 =	vshll.u32 v1, $0x1  }
0x6b: {  	vm7 =	vgt.s32 v1, $0x7BFFF;
	v1 =	vadd.s32 $0xFFF08001, v3  }
0x6c: {  	v1 =	vsel vm7, v1, v3  }
0x6d: {  	[tilespmem:v2+s15+$0x0] =	vst.idx.msk $0xffff, v1  }
0x6e: {  	v1 =	vld [tilespmem:s16+$0xFFFFFFC0];
	_ =	sdelay $0x1  }
0x6f: {  	s5 =	simm.s32 $0x180  }
0x70: {  	v2 =	vor.u32 s5, v0;
	_ =	sdelay $0x1  }
0x71: {  	v3 =	vshll.u32 v1, $0x1  }
0x72: {  	vm8 =	vgt.s32 v1, $0x7BFFF;
	v1 =	vadd.s32 $0xFFF08001, v3  }
0x73: {  	v1 =	vsel vm8, v1, v3  }
0x74: {  	[tilespmem:v2+s15+$0x0] =	vst.idx.msk $0xffff, v1  }
0x75: {  	v1 =	vld [tilespmem:s16+$0xFFFFFFD0];
	_ =	sdelay $0x1  }
0x76: {  	s20 =	simm.s32 $0x1A0  }
0x77: {  	v2 =	vor.u32 s20, v0;
	_ =	sdelay $0x1  }
0x78: {  	v3 =	vshll.u32 v1, $0x1  }
0x79: {  	vm9 =	vgt.s32 v1, $0x7BFFF;
	v1 =	vadd.s32 $0xFFF08001, v3  }
0x7a: {  	v1 =	vsel vm9, v1, v3  }
0x7b: {  	[tilespmem:v2+s15+$0x0] =	vst.idx.msk $0xffff, v1  }
0x7c: {  	v1 =	vld [tilespmem:s16+$0xFFFFFFE0];
	_ =	sdelay $0x1  }
0x7d: {  	s22 =	simm.s32 $0x1C0  }
0x7e: {  	v2 =	vor.u32 s22, v0;
	_ =	sdelay $0x1  }
0x7f: {  	v3 =	vshll.u32 v1, $0x1  }
0x80: {  	vm10 =	vgt.s32 v1, $0x7BFFF;
	v1 =	vadd.s32 $0xFFF08001, v3  }
0x81: {  	v1 =	vsel vm10, v1, v3  }
0x82: {  	[tilespmem:v2+s15+$0x0] =	vst.idx.msk $0xffff, v1  }
0x83: {  	v1 =	vld [tilespmem:s16+$0xFFFFFFF0];
	_ =	sdelay $0x1  }
0x84: {  	s4 =	simm.s32 $0x1E0  }
0x85: {  	v2 =	vor.u32 s4, v0;
	_ =	sdelay $0x1  }
0x86: {  	v3 =	vshll.u32 v1, $0x1  }
0x87: {  	vm11 =	vgt.s32 v1, $0x7BFFF;
	v1 =	vadd.s32 $0xFFF08001, v3  }
0x88: {  	v1 =	vsel vm11, v1, v3  }
0x89: {  	[tilespmem:v2+s15+$0x0] =	vst.idx.msk $0xffff, v1  }
0x8a: {  	v1 =	vld [tilespmem:s16+$0x0];
	_ =	sdelay $0x1  }
0x8b: {  	s5 =	simm.s32 $0x1  }
0x8c: {  	v2 =	vor.u32 s5, v0;
	_ =	sdelay $0x1  }
0x8d: {  	v3 =	vshll.u32 v1, $0x1  }
0x8e: {  	vm12 =	vgt.s32 v1, $0x7BFFF;
	v1 =	vadd.s32 $0xFFF08001, v3  }
0x8f: {  	v1 =	vsel vm12, v1, v3  }
0x90: {  	[tilespmem:v2+s15+$0x0] =	vst.idx.msk $0xffff, v1  }
0x91: {  	v1 =	vld [tilespmem:s16+$0x10];
	_ =	sdelay $0x1  }
0x92: {  	s20 =	simm.s32 $0x21  }
0x93: {  	v2 =	vor.u32 s20, v0;
	_ =	sdelay $0x1  }
0x94: {  	v3 =	vshll.u32 v1, $0x1  }
0x95: {  	vm13 =	vgt.s32 v1, $0x7BFFF;
	v1 =	vadd.s32 $0xFFF08001, v3  }
0x96: {  	v1 =	vsel vm13, v1, v3  }
0x97: {  	[tilespmem:v2+s15+$0x0] =	vst.idx.msk $0xffff, v1  }
0x98: {  	v1 =	vld [tilespmem:s16+$0x20];
	_ =	sdelay $0x1  }
0x99: {  	s22 =	simm.s32 $0x41  }
0x9a: {  	v2 =	vor.u32 s22, v0;
	_ =	sdelay $0x1  }
0x9b: {  	v3 =	vshll.u32 v1, $0x1  }
0x9c: {  	vm14 =	vgt.s32 v1, $0x7BFFF;
	v1 =	vadd.s32 $0xFFF08001, v3  }
0x9d: {  	v1 =	vsel vm14, v1, v3  }
0x9e: {  	[tilespmem:v2+s15+$0x0] =	vst.idx.msk $0xffff, v1  }
0x9f: {  	v1 =	vld [tilespmem:s16+$0x30];
	_ =	sdelay $0x1  }
0xa0: {  	s4 =	simm.s32 $0x61  }
0xa1: {  	v2 =	vor.u32 s4, v0;
	_ =	sdelay $0x1  }
0xa2: {  	v3 =	vshll.u32 v1, $0x1  }
0xa3: {  	vm15 =	vgt.s32 v1, $0x7BFFF;
	v1 =	vadd.s32 $0xFFF08001, v3  }
0xa4: {  	v1 =	vsel vm15, v1, v3  }
0xa5: {  	[tilespmem:v2+s15+$0x0] =	vst.idx.msk $0xffff, v1  }
0xa6: {  	v1 =	vld [tilespmem:s16+$0x40];
	_ =	sdelay $0x1  }
0xa7: {  	s5 =	simm.s32 $0x81  }
0xa8: {  	v2 =	vor.u32 s5, v0;
	_ =	sdelay $0x1  }
0xa9: {  	v3 =	vshll.u32 v1, $0x1  }
0xaa: {  	vm4 =	vgt.s32 v1, $0x7BFFF;
	v1 =	vadd.s32 $0xFFF08001, v3  }
0xab: {  	v1 =	vsel vm4, v1, v3  }
0xac: {  	[tilespmem:v2+s15+$0x0] =	vst.idx.msk $0xffff, v1  }
0xad: {  	v1 =	vld [tilespmem:s16+$0x50];
	_ =	sdelay $0x1  }
0xae: {  	s20 =	simm.s32 $0xA1  }
0xaf: {  	v2 =	vor.u32 s20, v0;
	_ =	sdelay $0x1  }
0xb0: {  	v3 =	vshll.u32 v1, $0x1  }
0xb1: {  	vm5 =	vgt.s32 v1, $0x7BFFF;
	v1 =	vadd.s32 $0xFFF08001, v3  }
0xb2: {  	v1 =	vsel vm5, v1, v3  }
0xb3: {  	[tilespmem:v2+s15+$0x0] =	vst.idx.msk $0xffff, v1  }
0xb4: {  	v1 =	vld [tilespmem:s16+$0x60];
	_ =	sdelay $0x1  }
0xb5: {  	s22 =	simm.s32 $0xC1  }
0xb6: {  	v2 =	vor.u32 s22, v0;
	_ =	sdelay $0x1  }
0xb7: {  	v3 =	vshll.u32 v1, $0x1  }
0xb8: {  	vm6 =	vgt.s32 v1, $0x7BFFF;
	v1 =	vadd.s32 $0xFFF08001, v3  }
0xb9: {  	v1 =	vsel vm6, v1, v3  }
0xba: {  	[tilespmem:v2+s15+$0x0] =	vst.idx.msk $0xffff, v1  }
0xbb: {  	v1 =	vld [tilespmem:s16+$0x70];
	_ =	sdelay $0x1  }
0xbc: {  	s4 =	simm.s32 $0xE1  }
0xbd: {  	v2 =	vor.u32 s4, v0;
	_ =	sdelay $0x1  }
0xbe: {  	v3 =	vshll.u32 v1, $0x1  }
0xbf: {  	vm7 =	vgt.s32 v1, $0x7BFFF;
	v1 =	vadd.s32 $0xFFF08001, v3  }
0xc0: {  	v1 =	vsel vm7, v1, v3  }
0xc1: {  	[tilespmem:v2+s15+$0x0] =	vst.idx.msk $0xffff, v1  }
0xc2: {  	v1 =	vld [tilespmem:s16+$0x80];
	_ =	sdelay $0x1  }
0xc3: {  	s5 =	simm.s32 $0x101  }
0xc4: {  	v2 =	vor.u32 s5, v0;
	_ =	sdelay $0x1  }
0xc5: {  	v3 =	vshll.u32 v1, $0x1  }
0xc6: {  	vm8 =	vgt.s32 v1, $0x7BFFF;
	v1 =	vadd.s32 $0xFFF08001, v3  }
0xc7: {  	v1 =	vsel vm8, v1, v3  }
0xc8: {  	[tilespmem:v2+s15+$0x0] =	vst.idx.msk $0xffff, v1  }
0xc9: {  	v1 =	vld [tilespmem:s16+$0x90];
	_ =	sdelay $0x1  }
0xca: {  	s20 =	simm.s32 $0x121  }
0xcb: {  	v2 =	vor.u32 s20, v0;
	_ =	sdelay $0x1  }
0xcc: {  	v3 =	vshll.u32 v1, $0x1  }
0xcd: {  	vm9 =	vgt.s32 v1, $0x7BFFF;
	v1 =	vadd.s32 $0xFFF08001, v3  }
0xce: {  	v1 =	vsel vm9, v1, v3  }
0xcf: {  	[tilespmem:v2+s15+$0x0] =	vst.idx.msk $0xffff, v1  }
0xd0: {  	v1 =	vld [tilespmem:s16+$0xA0];
	_ =	sdelay $0x1  }
0xd1: {  	s22 =	simm.s32 $0x141  }
0xd2: {  	v2 =	vor.u32 s22, v0;
	_ =	sdelay $0x1  }
0xd3: {  	v3 =	vshll.u32 v1, $0x1  }
0xd4: {  	vm10 =	vgt.s32 v1, $0x7BFFF;
	v1 =	vadd.s32 $0xFFF08001, v3  }
0xd5: {  	v1 =	vsel vm10, v1, v3  }
0xd6: {  	[tilespmem:v2+s15+$0x0] =	vst.idx.msk $0xffff, v1  }
0xd7: {  	v1 =	vld [tilespmem:s16+$0xB0];
	_ =	sdelay $0x1  }
0xd8: {  	s4 =	simm.s32 $0x161  }
0xd9: {  	v2 =	vor.u32 s4, v0;
	_ =	sdelay $0x1  }
0xda: {  	v3 =	vshll.u32 v1, $0x1  }
0xdb: {  	vm11 =	vgt.s32 v1, $0x7BFFF;
	v1 =	vadd.s32 $0xFFF08001, v3  }
0xdc: {  	v1 =	vsel vm11, v1, v3  }
0xdd: {  	[tilespmem:v2+s15+$0x0] =	vst.idx.msk $0xffff, v1  }
0xde: {  	v1 =	vld [tilespmem:s16+$0xC0];
	_ =	sdelay $0x1  }
0xdf: {  	s5 =	simm.s32 $0x181  }
0xe0: {  	v2 =	vor.u32 s5, v0;
	_ =	sdelay $0x1  }
0xe1: {  	v3 =	vshll.u32 v1, $0x1  }
0xe2: {  	vm12 =	vgt.s32 v1, $0x7BFFF;
	v1 =	vadd.s32 $0xFFF08001, v3  }
0xe3: {  	v1 =	vsel vm12, v1, v3  }
0xe4: {  	[tilespmem:v2+s15+$0x0] =	vst.idx.msk $0xffff, v1  }
0xe5: {  	v1 =	vld [tilespmem:s16+$0xD0];
	_ =	sdelay $0x1  }
0xe6: {  	s20 =	simm.s32 $0x1A1  }
0xe7: {  	v2 =	vor.u32 s20, v0;
	_ =	sdelay $0x1  }
0xe8: {  	v3 =	vshll.u32 v1, $0x1  }
0xe9: {  	vm13 =	vgt.s32 v1, $0x7BFFF;
	v1 =	vadd.s32 $0xFFF08001, v3  }
0xea: {  	v1 =	vsel vm13, v1, v3  }
0xeb: {  	[tilespmem:v2+s15+$0x0] =	vst.idx.msk $0xffff, v1  }
0xec: {  	v1 =	vld [tilespmem:s16+$0xE0];
	_ =	sdelay $0x1  }
0xed: {  	s22 =	simm.s32 $0x1C1  }
0xee: {  	v2 =	vor.u32 s22, v0;
	_ =	sdelay $0x1  }
0xef: {  	v3 =	vshll.u32 v1, $0x1  }
0xf0: {  	vm14 =	vgt.s32 v1, $0x7BFFF;
	v1 =	vadd.s32 $0xFFF08001, v3  }
0xf1: {  	v1 =	vsel vm14, v1, v3  }
0xf2: {  	[tilespmem:v2+s15+$0x0] =	vst.idx.msk $0xffff, v1  }
0xf3: {  	v1 =	vld [tilespmem:s16+$0xF0];
	_ =	sdelay $0x3  }
0xf4: {  	s20 =	simm.s32 $0x1E1  }
0xf5: {  	v2 =	vshll.u32 v1, $0x1;
	vm15 =	vgt.s32 v1, $0x7BFFF;
	v1 =	vor.u32 s20, v0;
	_ =	sdelay $0x1  }
0xf6: {  	v3 =	vadd.s32 $0xFFF08001, v2  }
0xf7: {  	s18 =	simm.s32 $0x3E1;
	s20 =	simm.s32 $0x100;
	v2 =	vsel vm15, v3, v2  }
.LBB2_2:
0xf8: {  	p0 =	sne.s32 s18, $0x63E1  }
0xf9: {  	[tilespmem:v1+s15+$0x0] =	vst.idx.msk $0xffff, v2;
	s20 =	sadd.s32 $0x200, s20;
	s22 =	smov.u32 s18;
	s18 =	sadd.s32 $0x200, s18  }
0xfa: {  	v1 =	vld [tilespmem:s20+$0xFFFFFF00];
	_ =	sdelay $0x1  }
0xfb: {  	s4 =	sadd.s32 $0xFFFFFE1F, s22  }
0xfc: {  	v2 =	vor.u32 s4, v0;
	_ =	sdelay $0x1  }
0xfd: {  	v3 =	vshll.u32 v1, $0x1  }
0xfe: {  	vm0 =	vgt.s32 v1, $0x7BFFF;
	v1 =	vadd.s32 $0xFFF08001, v3  }
0xff: {  	v1 =	vsel vm0, v1, v3  }
0x100: {  	[tilespmem:v2+s15+$0x0] =	vst.idx.msk $0xffff, v1  }
0x101: {  	v1 =	vld [tilespmem:s20+$0xFFFFFF10];
	_ =	sdelay $0x1  }
0x102: {  	s4 =	sadd.s32 $0xFFFFFE3F, s22  }
0x103: {  	v2 =	vor.u32 s4, v0;
	_ =	sdelay $0x1  }
0x104: {  	v3 =	vshll.u32 v1, $0x1  }
0x105: {  	vm0 =	vgt.s32 v1, $0x7BFFF;
	v1 =	vadd.s32 $0xFFF08001, v3  }
0x106: {  	v1 =	vsel vm0, v1, v3  }
0x107: {  	[tilespmem:v2+s15+$0x0] =	vst.idx.msk $0xffff, v1  }
0x108: {  	v1 =	vld [tilespmem:s20+$0xFFFFFF20];
	_ =	sdelay $0x1  }
0x109: {  	s4 =	sadd.s32 $0xFFFFFE5F, s22  }
0x10a: {  	v2 =	vor.u32 s4, v0;
	_ =	sdelay $0x1  }
0x10b: {  	v3 =	vshll.u32 v1, $0x1  }
0x10c: {  	vm0 =	vgt.s32 v1, $0x7BFFF;
	v1 =	vadd.s32 $0xFFF08001, v3  }
0x10d: {  	v1 =	vsel vm0, v1, v3  }
0x10e: {  	[tilespmem:v2+s15+$0x0] =	vst.idx.msk $0xffff, v1  }
0x10f: {  	v1 =	vld [tilespmem:s20+$0xFFFFFF30];
	_ =	sdelay $0x1  }
0x110: {  	s4 =	sadd.s32 $0xFFFFFE7F, s22  }
0x111: {  	v2 =	vor.u32 s4, v0;
	_ =	sdelay $0x1  }
0x112: {  	v3 =	vshll.u32 v1, $0x1  }
0x113: {  	vm0 =	vgt.s32 v1, $0x7BFFF;
	v1 =	vadd.s32 $0xFFF08001, v3  }
0x114: {  	v1 =	vsel vm0, v1, v3  }
0x115: {  	[tilespmem:v2+s15+$0x0] =	vst.idx.msk $0xffff, v1  }
0x116: {  	v1 =	vld [tilespmem:s20+$0xFFFFFF40];
	_ =	sdelay $0x1  }
0x117: {  	s4 =	sadd.s32 $0xFFFFFE9F, s22  }
0x118: {  	v2 =	vor.u32 s4, v0;
	_ =	sdelay $0x1  }
0x119: {  	v3 =	vshll.u32 v1, $0x1  }
0x11a: {  	vm0 =	vgt.s32 v1, $0x7BFFF;
	v1 =	vadd.s32 $0xFFF08001, v3  }
0x11b: {  	v1 =	vsel vm0, v1, v3  }
0x11c: {  	[tilespmem:v2+s15+$0x0] =	vst.idx.msk $0xffff, v1  }
0x11d: {  	v1 =	vld [tilespmem:s20+$0xFFFFFF50];
	_ =	sdelay $0x1  }
0x11e: {  	s4 =	sadd.s32 $0xFFFFFEBF, s22  }
0x11f: {  	v2 =	vor.u32 s4, v0;
	_ =	sdelay $0x1  }
0x120: {  	v3 =	vshll.u32 v1, $0x1  }
0x121: {  	vm0 =	vgt.s32 v1, $0x7BFFF;
	v1 =	vadd.s32 $0xFFF08001, v3  }
0x122: {  	v1 =	vsel vm0, v1, v3  }
0x123: {  	[tilespmem:v2+s15+$0x0] =	vst.idx.msk $0xffff, v1  }
0x124: {  	v1 =	vld [tilespmem:s20+$0xFFFFFF60];
	_ =	sdelay $0x1  }
0x125: {  	s4 =	sadd.s32 $0xFFFFFEDF, s22  }
0x126: {  	v2 =	vor.u32 s4, v0;
	_ =	sdelay $0x1  }
0x127: {  	v3 =	vshll.u32 v1, $0x1  }
0x128: {  	vm0 =	vgt.s32 v1, $0x7BFFF;
	v1 =	vadd.s32 $0xFFF08001, v3  }
0x129: {  	v1 =	vsel vm0, v1, v3  }
0x12a: {  	[tilespmem:v2+s15+$0x0] =	vst.idx.msk $0xffff, v1  }
0x12b: {  	v1 =	vld [tilespmem:s20+$0xFFFFFF70];
	_ =	sdelay $0x1  }
0x12c: {  	s4 =	sadd.s32 $0xFFFFFEFF, s22  }
0x12d: {  	v2 =	vor.u32 s4, v0;
	_ =	sdelay $0x1  }
0x12e: {  	v3 =	vshll.u32 v1, $0x1  }
0x12f: {  	vm0 =	vgt.s32 v1, $0x7BFFF;
	v1 =	vadd.s32 $0xFFF08001, v3  }
0x130: {  	v1 =	vsel vm0, v1, v3  }
0x131: {  	[tilespmem:v2+s15+$0x0] =	vst.idx.msk $0xffff, v1  }
0x132: {  	v1 =	vld [tilespmem:s20+$0xFFFFFF80];
	_ =	sdelay $0x1  }
0x133: {  	s4 =	sadd.s32 $0xFFFFFF1F, s22  }
0x134: {  	v2 =	vor.u32 s4, v0;
	_ =	sdelay $0x1  }
0x135: {  	v3 =	vshll.u32 v1, $0x1  }
0x136: {  	vm0 =	vgt.s32 v1, $0x7BFFF;
	v1 =	vadd.s32 $0xFFF08001, v3  }
0x137: {  	v1 =	vsel vm0, v1, v3  }
0x138: {  	[tilespmem:v2+s15+$0x0] =	vst.idx.msk $0xffff, v1  }
0x139: {  	v1 =	vld [tilespmem:s20+$0xFFFFFF90];
	_ =	sdelay $0x1  }
0x13a: {  	s4 =	sadd.s32 $0xFFFFFF3F, s22  }
0x13b: {  	v2 =	vor.u32 s4, v0;
	_ =	sdelay $0x1  }
0x13c: {  	v3 =	vshll.u32 v1, $0x1  }
0x13d: {  	vm0 =	vgt.s32 v1, $0x7BFFF;
	v1 =	vadd.s32 $0xFFF08001, v3  }
0x13e: {  	v1 =	vsel vm0, v1, v3  }
0x13f: {  	[tilespmem:v2+s15+$0x0] =	vst.idx.msk $0xffff, v1  }
0x140: {  	v1 =	vld [tilespmem:s20+$0xFFFFFFA0];
	_ =	sdelay $0x1  }
0x141: {  	s4 =	sadd.s32 $0xFFFFFF5F, s22  }
0x142: {  	v2 =	vor.u32 s4, v0;
	_ =	sdelay $0x1  }
0x143: {  	v3 =	vshll.u32 v1, $0x1  }
0x144: {  	vm0 =	vgt.s32 v1, $0x7BFFF;
	v1 =	vadd.s32 $0xFFF08001, v3  }
0x145: {  	v1 =	vsel vm0, v1, v3  }
0x146: {  	[tilespmem:v2+s15+$0x0] =	vst.idx.msk $0xffff, v1  }
0x147: {  	v1 =	vld [tilespmem:s20+$0xFFFFFFB0];
	_ =	sdelay $0x1  }
0x148: {  	s4 =	sadd.s32 $0xFFFFFF7F, s22  }
0x149: {  	v2 =	vor.u32 s4, v0;
	_ =	sdelay $0x1  }
0x14a: {  	v3 =	vshll.u32 v1, $0x1  }
0x14b: {  	vm0 =	vgt.s32 v1, $0x7BFFF;
	v1 =	vadd.s32 $0xFFF08001, v3  }
0x14c: {  	v1 =	vsel vm0, v1, v3  }
0x14d: {  	[tilespmem:v2+s15+$0x0] =	vst.idx.msk $0xffff, v1  }
0x14e: {  	v1 =	vld [tilespmem:s20+$0xFFFFFFC0];
	_ =	sdelay $0x1  }
0x14f: {  	s4 =	sadd.s32 $0xFFFFFF9F, s22  }
0x150: {  	v2 =	vor.u32 s4, v0;
	_ =	sdelay $0x1  }
0x151: {  	v3 =	vshll.u32 v1, $0x1  }
0x152: {  	vm0 =	vgt.s32 v1, $0x7BFFF;
	v1 =	vadd.s32 $0xFFF08001, v3  }
0x153: {  	v1 =	vsel vm0, v1, v3  }
0x154: {  	[tilespmem:v2+s15+$0x0] =	vst.idx.msk $0xffff, v1  }
0x155: {  	v1 =	vld [tilespmem:s20+$0xFFFFFFD0];
	_ =	sdelay $0x1  }
0x156: {  	s4 =	sadd.s32 $0xFFFFFFBF, s22  }
0x157: {  	v2 =	vor.u32 s4, v0;
	_ =	sdelay $0x1  }
0x158: {  	v3 =	vshll.u32 v1, $0x1  }
0x159: {  	vm0 =	vgt.s32 v1, $0x7BFFF;
	v1 =	vadd.s32 $0xFFF08001, v3  }
0x15a: {  	v1 =	vsel vm0, v1, v3  }
0x15b: {  	[tilespmem:v2+s15+$0x0] =	vst.idx.msk $0xffff, v1  }
0x15c: {  	v1 =	vld [tilespmem:s20+$0xFFFFFFE0];
	_ =	sdelay $0x1  }
0x15d: {  	s4 =	sadd.s32 $0xFFFFFFDF, s22  }
0x15e: {  	v2 =	vor.u32 s4, v0;
	_ =	sdelay $0x1  }
0x15f: {  	v3 =	vshll.u32 v1, $0x1  }
0x160: {  	vm0 =	vgt.s32 v1, $0x7BFFF;
	v1 =	vadd.s32 $0xFFF08001, v3  }
0x161: {  	v1 =	vsel vm0, v1, v3  }
0x162: {  	[tilespmem:v2+s15+$0x0] =	vst.idx.msk $0xffff, v1  }
0x163: {  	v1 =	vld [tilespmem:s20+$0xFFFFFFF0];
	_ =	sdelay $0x1  }
0x164: {  	s4 =	sadd.s32 $0xFFFFFFFF, s22  }
0x165: {  	v2 =	vor.u32 s4, v0;
	_ =	sdelay $0x1  }
0x166: {  	v3 =	vshll.u32 v1, $0x1  }
0x167: {  	vm0 =	vgt.s32 v1, $0x7BFFF;
	v1 =	vadd.s32 $0xFFF08001, v3  }
0x168: {  	v1 =	vsel vm0, v1, v3  }
0x169: {  	[tilespmem:v2+s15+$0x0] =	vst.idx.msk $0xffff, v1  }
0x16a: {  	v1 =	vld [tilespmem:s20+$0x0];
	_ =	sdelay $0x1  }
0x16b: {  	s4 =	sadd.s32 $0xFFFFFE20, s22  }
0x16c: {  	v2 =	vor.u32 s4, v0;
	_ =	sdelay $0x1  }
0x16d: {  	v3 =	vshll.u32 v1, $0x1  }
0x16e: {  	vm0 =	vgt.s32 v1, $0x7BFFF;
	v1 =	vadd.s32 $0xFFF08001, v3  }
0x16f: {  	v1 =	vsel vm0, v1, v3  }
0x170: {  	[tilespmem:v2+s15+$0x0] =	vst.idx.msk $0xffff, v1  }
0x171: {  	v1 =	vld [tilespmem:s20+$0x10];
	_ =	sdelay $0x1  }
0x172: {  	s4 =	sadd.s32 $0xFFFFFE40, s22  }
0x173: {  	v2 =	vor.u32 s4, v0;
	_ =	sdelay $0x1  }
0x174: {  	v3 =	vshll.u32 v1, $0x1  }
0x175: {  	vm0 =	vgt.s32 v1, $0x7BFFF;
	v1 =	vadd.s32 $0xFFF08001, v3  }
0x176: {  	v1 =	vsel vm0, v1, v3  }
0x177: {  	[tilespmem:v2+s15+$0x0] =	vst.idx.msk $0xffff, v1  }
0x178: {  	v1 =	vld [tilespmem:s20+$0x20];
	_ =	sdelay $0x1  }
0x179: {  	s4 =	sadd.s32 $0xFFFFFE60, s22  }
0x17a: {  	v2 =	vor.u32 s4, v0;
	_ =	sdelay $0x1  }
0x17b: {  	v3 =	vshll.u32 v1, $0x1  }
0x17c: {  	vm0 =	vgt.s32 v1, $0x7BFFF;
	v1 =	vadd.s32 $0xFFF08001, v3  }
0x17d: {  	v1 =	vsel vm0, v1, v3  }
0x17e: {  	[tilespmem:v2+s15+$0x0] =	vst.idx.msk $0xffff, v1  }
0x17f: {  	v1 =	vld [tilespmem:s20+$0x30];
	_ =	sdelay $0x1  }
0x180: {  	s4 =	sadd.s32 $0xFFFFFE80, s22  }
0x181: {  	v2 =	vor.u32 s4, v0;
	_ =	sdelay $0x1  }
0x182: {  	v3 =	vshll.u32 v1, $0x1  }
0x183: {  	vm0 =	vgt.s32 v1, $0x7BFFF;
	v1 =	vadd.s32 $0xFFF08001, v3  }
0x184: {  	v1 =	vsel vm0, v1, v3  }
0x185: {  	[tilespmem:v2+s15+$0x0] =	vst.idx.msk $0xffff, v1  }
0x186: {  	v1 =	vld [tilespmem:s20+$0x40];
	_ =	sdelay $0x1  }
0x187: {  	s4 =	sadd.s32 $0xFFFFFEA0, s22  }
0x188: {  	v2 =	vor.u32 s4, v0;
	_ =	sdelay $0x1  }
0x189: {  	v3 =	vshll.u32 v1, $0x1  }
0x18a: {  	vm0 =	vgt.s32 v1, $0x7BFFF;
	v1 =	vadd.s32 $0xFFF08001, v3  }
0x18b: {  	v1 =	vsel vm0, v1, v3  }
0x18c: {  	[tilespmem:v2+s15+$0x0] =	vst.idx.msk $0xffff, v1  }
0x18d: {  	v1 =	vld [tilespmem:s20+$0x50];
	_ =	sdelay $0x1  }
0x18e: {  	s4 =	sadd.s32 $0xFFFFFEC0, s22  }
0x18f: {  	v2 =	vor.u32 s4, v0;
	_ =	sdelay $0x1  }
0x190: {  	v3 =	vshll.u32 v1, $0x1  }
0x191: {  	vm0 =	vgt.s32 v1, $0x7BFFF;
	v1 =	vadd.s32 $0xFFF08001, v3  }
0x192: {  	v1 =	vsel vm0, v1, v3  }
0x193: {  	[tilespmem:v2+s15+$0x0] =	vst.idx.msk $0xffff, v1  }
0x194: {  	v1 =	vld [tilespmem:s20+$0x60];
	_ =	sdelay $0x1  }
0x195: {  	s4 =	sadd.s32 $0xFFFFFEE0, s22  }
0x196: {  	v2 =	vor.u32 s4, v0;
	_ =	sdelay $0x1  }
0x197: {  	v3 =	vshll.u32 v1, $0x1  }
0x198: {  	vm0 =	vgt.s32 v1, $0x7BFFF;
	v1 =	vadd.s32 $0xFFF08001, v3  }
0x199: {  	v1 =	vsel vm0, v1, v3  }
0x19a: {  	[tilespmem:v2+s15+$0x0] =	vst.idx.msk $0xffff, v1  }
0x19b: {  	v1 =	vld [tilespmem:s20+$0x70];
	_ =	sdelay $0x1  }
0x19c: {  	s4 =	sadd.s32 $0xFFFFFF00, s22  }
0x19d: {  	v2 =	vor.u32 s4, v0;
	_ =	sdelay $0x1  }
0x19e: {  	v3 =	vshll.u32 v1, $0x1  }
0x19f: {  	vm0 =	vgt.s32 v1, $0x7BFFF;
	v1 =	vadd.s32 $0xFFF08001, v3  }
0x1a0: {  	v1 =	vsel vm0, v1, v3  }
0x1a1: {  	[tilespmem:v2+s15+$0x0] =	vst.idx.msk $0xffff, v1  }
0x1a2: {  	v1 =	vld [tilespmem:s20+$0x80];
	_ =	sdelay $0x1  }
0x1a3: {  	s4 =	sadd.s32 $0xFFFFFF20, s22  }
0x1a4: {  	v2 =	vor.u32 s4, v0;
	_ =	sdelay $0x1  }
0x1a5: {  	v3 =	vshll.u32 v1, $0x1  }
0x1a6: {  	vm0 =	vgt.s32 v1, $0x7BFFF;
	v1 =	vadd.s32 $0xFFF08001, v3  }
0x1a7: {  	v1 =	vsel vm0, v1, v3  }
0x1a8: {  	[tilespmem:v2+s15+$0x0] =	vst.idx.msk $0xffff, v1  }
0x1a9: {  	v1 =	vld [tilespmem:s20+$0x90];
	_ =	sdelay $0x1  }
0x1aa: {  	s4 =	sadd.s32 $0xFFFFFF40, s22  }
0x1ab: {  	v2 =	vor.u32 s4, v0;
	_ =	sdelay $0x1  }
0x1ac: {  	v3 =	vshll.u32 v1, $0x1  }
0x1ad: {  	vm0 =	vgt.s32 v1, $0x7BFFF;
	v1 =	vadd.s32 $0xFFF08001, v3  }
0x1ae: {  	v1 =	vsel vm0, v1, v3  }
0x1af: {  	[tilespmem:v2+s15+$0x0] =	vst.idx.msk $0xffff, v1  }
0x1b0: {  	v1 =	vld [tilespmem:s20+$0xA0];
	_ =	sdelay $0x1  }
0x1b1: {  	s4 =	sadd.s32 $0xFFFFFF60, s22  }
0x1b2: {  	v2 =	vor.u32 s4, v0;
	_ =	sdelay $0x1  }
0x1b3: {  	v3 =	vshll.u32 v1, $0x1  }
0x1b4: {  	vm0 =	vgt.s32 v1, $0x7BFFF;
	v1 =	vadd.s32 $0xFFF08001, v3  }
0x1b5: {  	v1 =	vsel vm0, v1, v3  }
0x1b6: {  	[tilespmem:v2+s15+$0x0] =	vst.idx.msk $0xffff, v1  }
0x1b7: {  	v1 =	vld [tilespmem:s20+$0xB0];
	_ =	sdelay $0x1  }
0x1b8: {  	s4 =	sadd.s32 $0xFFFFFF80, s22  }
0x1b9: {  	v2 =	vor.u32 s4, v0;
	_ =	sdelay $0x1  }
0x1ba: {  	v3 =	vshll.u32 v1, $0x1  }
0x1bb: {  	vm0 =	vgt.s32 v1, $0x7BFFF;
	v1 =	vadd.s32 $0xFFF08001, v3  }
0x1bc: {  	v1 =	vsel vm0, v1, v3  }
0x1bd: {  	[tilespmem:v2+s15+$0x0] =	vst.idx.msk $0xffff, v1  }
0x1be: {  	v1 =	vld [tilespmem:s20+$0xC0];
	_ =	sdelay $0x1  }
0x1bf: {  	s4 =	sadd.s32 $0xFFFFFFA0, s22  }
0x1c0: {  	v2 =	vor.u32 s4, v0;
	_ =	sdelay $0x1  }
0x1c1: {  	v3 =	vshll.u32 v1, $0x1  }
0x1c2: {  	vm0 =	vgt.s32 v1, $0x7BFFF;
	v1 =	vadd.s32 $0xFFF08001, v3  }
0x1c3: {  	v1 =	vsel vm0, v1, v3  }
0x1c4: {  	[tilespmem:v2+s15+$0x0] =	vst.idx.msk $0xffff, v1  }
0x1c5: {  	v1 =	vld [tilespmem:s20+$0xD0];
	_ =	sdelay $0x1  }
0x1c6: {  	s4 =	sadd.s32 $0xFFFFFFC0, s22  }
0x1c7: {  	v2 =	vor.u32 s4, v0;
	_ =	sdelay $0x1  }
0x1c8: {  	v3 =	vshll.u32 v1, $0x1  }
0x1c9: {  	vm0 =	vgt.s32 v1, $0x7BFFF;
	v1 =	vadd.s32 $0xFFF08001, v3  }
0x1ca: {  	v1 =	vsel vm0, v1, v3  }
0x1cb: {  	[tilespmem:v2+s15+$0x0] =	vst.idx.msk $0xffff, v1  }
0x1cc: {  	v1 =	vld [tilespmem:s20+$0xE0];
	_ =	sdelay $0x1  }
0x1cd: {  	s4 =	sadd.s32 $0xFFFFFFE0, s22  }
0x1ce: {  	v2 =	vor.u32 s4, v0;
	_ =	sdelay $0x1  }
0x1cf: {  	v3 =	vshll.u32 v1, $0x1  }
0x1d0: {  	vm0 =	vgt.s32 v1, $0x7BFFF;
	v1 =	vadd.s32 $0xFFF08001, v3  }
0x1d1: {  	v1 =	vsel vm0, v1, v3  }
0x1d2: {  	[tilespmem:v2+s15+$0x0] =	vst.idx.msk $0xffff, v1  }
0x1d3: {  	v2 =	vld [tilespmem:s20+$0xF0];
	_ =	sdelay $0x2  }
.Ltmp0:
0x1d4: {  	v1 =	vor.u32 s22, v0;
	(pc) =	sbr.rel @p0 .LBB2_2-.Ltmp0, $4  }
0x1d5: {  	_ = 	snop  }
0x1d6: {  	v3 =	vshll.u32 v2, $0x1  }
0x1d7: {  	vm0 =	vgt.s32 v2, $0x7BFFF;
	v2 =	vadd.s32 $0xFFF08001, v3  }
0x1d8: {  	v2 =	vsel vm0, v2, v3  }
0x1d9: {  	_ =	sdelay $0x3  }
0x1da: {  	[tilespmem:v1+s15+$0x0] =	vst.idx.msk $0xffff, v2  }
0x1db: {  	[tilespmem:s17], [sflag:$0x1] =	stream.indirect.gather [hbm4b:s3+s16], $0x40, s15, s16, $0xb8;
	[tilespmem:$0x1C800] =	vst v63  }
0x1dc: {  	s4 =	simm.s32 $0x6500  }
0x1dd: {  	[tilespmem:s19], [sflag:$0x2] =	stream.indirect.gather [hbm4b:s3+s16], $0x40, s4, s16, $0xb8;
	[tilespmem:$0x1C800] =	vst v63  }
0x1de: {  	s22 =	simm.s32 $0x6600  }
0x1df: {  	[tilespmem:s21], [sflag:$0x3] =	stream.indirect.gather [hbm4b:s3+s16], $0x40, s22, s16, $0xb8;
	[tilespmem:$0x1C800] =	vst v63  }
0x1e0: {  	s5 =	simm.s32 $0x6700  }
0x1e1: {  	[tilespmem:s23], [sflag:$0x4] =	stream.indirect.gather [hbm4b:s3+s16], $0x40, s5, s16, $0xb8;
	[tilespmem:$0x1C800] =	vst v63  }
0x1e2: {  	_ =	swait.ge [sflag:s24], $0x4000  }
0x1e3: {  	[sflag:s24] =	ssyncset.done $0x0  }
0x1e4: {  	s18 =	sadd.s32 $0x0, s10;
	[sflag:s24] =	ssyncadd.s32 $0xFFFFC000  }
0x1e5: {  	[hbm4b:s18+s2] =	stream.linear.scatter [tilespmem:s17], [sflag:$0x5], $0x4000, $0x38;
	[tilespmem:$0x1C800] =	vst v63  }
0x1e6: {  	_ =	swait.ge [sflag:s25], $0x4000  }
0x1e7: {  	[sflag:s25] =	ssyncset.done $0x0  }
0x1e8: {  	s20 =	sadd.s32 $0x0, s13;
	[sflag:s25] =	ssyncadd.s32 $0xFFFFC000  }
0x1e9: {  	[hbm4b:s20+s2] =	stream.linear.scatter [tilespmem:s19], [sflag:$0x6], $0x4000, $0x38;
	[tilespmem:$0x1C800] =	vst v63  }
0x1ea: {  	_ =	swait.ge [sflag:s26], $0x4000  }
0x1eb: {  	[sflag:s26] =	ssyncset.done $0x0  }
0x1ec: {  	s22 =	sadd.s32 $0x0, s12;
	[sflag:s26] =	ssyncadd.s32 $0xFFFFC000  }
0x1ed: {  	[hbm4b:s22+s2] =	stream.linear.scatter [tilespmem:s21], [sflag:$0x7], $0x4000, $0x38;
	[tilespmem:$0x1C800] =	vst v63  }
0x1ee: {  	_ =	swait.ge [sflag:s28], $0x4000  }
0x1ef: {  	[sflag:s28] =	ssyncset.done $0x0  }
0x1f0: {  	s5 =	sadd.s32 $0x0, s11;
	[sflag:s28] =	ssyncadd.s32 $0xFFFFC000  }
0x1f1: {  	[hbm4b:s5+s2] =	stream.linear.scatter [tilespmem:s23], [sflag:$0x8], $0x4000, $0x38;
	[tilespmem:$0x1C800] =	vst v63  }
0x1f2: {  	_ =	swait.ge [sflag:s29], $0x4000  }
0x1f3: {  	[sflag:s29] =	ssyncset.done $0x0  }
0x1f4: {  	s18 =	simm.s32 $0x6800;
	[sflag:s29] =	ssyncadd.s32 $0xFFFFC000  }
0x1f5: {  	[tilespmem:s17], [sflag:$0x1] =	stream.indirect.gather [hbm4b:s3+s16], $0x40, s18, s16, $0xb8;
	[tilespmem:$0x1C800] =	vst v63  }
0x1f6: {  	_ =	swait.ge [sflag:s30], $0x4000  }
0x1f7: {  	[sflag:s30] =	ssyncset.done $0x0  }
0x1f8: {  	s20 =	simm.s32 $0x6900;
	[sflag:s30] =	ssyncadd.s32 $0xFFFFC000  }
0x1f9: {  	[tilespmem:s19], [sflag:$0x2] =	stream.indirect.gather [hbm4b:s3+s16], $0x40, s20, s16, $0xb8;
	[tilespmem:$0x1C800] =	vst v63  }
0x1fa: {  	_ =	swait.ge [sflag:s31], $0x4000  }
0x1fb: {  	[sflag:s31] =	ssyncset.done $0x0  }
0x1fc: {  	s22 =	simm.s32 $0x6A00;
	[sflag:s31] =	ssyncadd.s32 $0xFFFFC000  }
0x1fd: {  	[tilespmem:s21], [sflag:$0x3] =	stream.indirect.gather [hbm4b:s3+s16], $0x40, s22, s16, $0xb8;
	[tilespmem:$0x1C800] =	vst v63  }
0x1fe: {  	_ =	swait.ge [sflag:s1], $0x4000  }
0x1ff: {  	s18 =	simm.s32 $0x6B00;
	[sflag:s1] =	ssyncset.done $0x0  }
0x200: {  	s20 =	simm.s32 $0x2000;
	s22 =	simm.s32 $0x6F00;
	[sflag:s1] =	ssyncadd.s32 $0xFFFFC000  }
.LBB2_4:
0x201: {  	[tilespmem:s23], [sflag:$0x4] =	stream.indirect.gather [hbm4b:s3+s16], $0x40, s18, s16, $0xb8;
	[tilespmem:$0x1C800] =	vst v63  }
0x202: {  	s4 =	smov.u32 s20;
	s18 =	smov.u32 s22  }
0x203: {  	p0 =	sne.s32 s20, $0x2E000;
	s20 =	sadd.s32 $0x2000, s20;
	_ =	swait.ge [sflag:s24], $0x4000  }
0x204: {  	[sflag:s24] =	ssyncset.done $0x0  }
0x205: {  	s5 =	sadd.s32 s4, s10;
	[sflag:s24] =	ssyncadd.s32 $0xFFFFC000  }
0x206: {  	[hbm4b:s5+s2] =	stream.linear.scatter [tilespmem:s17], [sflag:$0x5], $0x4000, $0x38;
	[tilespmem:$0x1C800] =	vst v63  }
0x207: {  	_ =	swait.ge [sflag:s25], $0x4000  }
0x208: {  	[sflag:s25] =	ssyncset.done $0x0  }
0x209: {  	s5 =	sadd.s32 s4, s13;
	[sflag:s25] =	ssyncadd.s32 $0xFFFFC000  }
0x20a: {  	[hbm4b:s5+s2] =	stream.linear.scatter [tilespmem:s19], [sflag:$0x6], $0x4000, $0x38;
	[tilespmem:$0x1C800] =	vst v63  }
0x20b: {  	_ =	swait.ge [sflag:s26], $0x4000  }
0x20c: {  	[sflag:s26] =	ssyncset.done $0x0  }
0x20d: {  	s5 =	sadd.s32 s4, s12;
	[sflag:s26] =	ssyncadd.s32 $0xFFFFC000  }
0x20e: {  	[hbm4b:s5+s2] =	stream.linear.scatter [tilespmem:s21], [sflag:$0x7], $0x4000, $0x38;
	[tilespmem:$0x1C800] =	vst v63  }
0x20f: {  	_ =	swait.ge [sflag:s28], $0x4000  }
0x210: {  	[sflag:s28] =	ssyncset.done $0x0  }
0x211: {  	s4 =	sadd.s32 s4, s11;
	[sflag:s28] =	ssyncadd.s32 $0xFFFFC000  }
0x212: {  	[hbm4b:s4+s2] =	stream.linear.scatter [tilespmem:s23], [sflag:$0x8], $0x4000, $0x38;
	[tilespmem:$0x1C800] =	vst v63  }
0x213: {  	_ =	swait.ge [sflag:s29], $0x4000  }
0x214: {  	[sflag:s29] =	ssyncset.done $0x0  }
0x215: {  	s4 =	sadd.s32 $0xFFFFFD00, s22;
	[sflag:s29] =	ssyncadd.s32 $0xFFFFC000  }
0x216: {  	[tilespmem:s17], [sflag:$0x1] =	stream.indirect.gather [hbm4b:s3+s16], $0x40, s4, s16, $0xb8;
	[tilespmem:$0x1C800] =	vst v63  }
0x217: {  	_ =	swait.ge [sflag:s30], $0x4000  }
0x218: {  	[sflag:s30] =	ssyncset.done $0x0  }
0x219: {  	s4 =	sadd.s32 $0xFFFFFE00, s22;
	[sflag:s30] =	ssyncadd.s32 $0xFFFFC000  }
0x21a: {  	[tilespmem:s19], [sflag:$0x2] =	stream.indirect.gather [hbm4b:s3+s16], $0x40, s4, s16, $0xb8;
	[tilespmem:$0x1C800] =	vst v63  }
0x21b: {  	_ =	swait.ge [sflag:s31], $0x4000  }
0x21c: {  	[sflag:s31] =	ssyncset.done $0x0  }
.Ltmp1:
0x21d: {  	s4 =	sadd.s32 $0xFFFFFF00, s22;
	[sflag:s31] =	ssyncadd.s32 $0xFFFFC000;
	(pc) =	sbr.rel @p0 .LBB2_4-.Ltmp1, $4  }
0x21e: {  	[tilespmem:s21], [sflag:$0x3] =	stream.indirect.gather [hbm4b:s3+s16], $0x40, s4, s16, $0xb8;
	[tilespmem:$0x1C800] =	vst v63  }
0x21f: {  	_ =	swait.ge [sflag:s1], $0x4000  }
0x220: {  	[sflag:s1] =	ssyncset.done $0x0  }
0x221: {  	s22 =	sadd.s32 $0x400, s22;
	[sflag:s1] =	ssyncadd.s32 $0xFFFFC000  }
0x222: {  	[tilespmem:s23], [sflag:$0x4] =	stream.indirect.gather [hbm4b:s3+s16], $0x40, s18, s16, $0xb8;
	[tilespmem:$0x1C800] =	vst v63  }
0x223: {  	_ =	swait.ge [sflag:s24], $0x4000  }
0x224: {  	[sflag:s24] =	ssyncset.done $0x0  }
0x225: {  	s4 =	rddreg [dreg:$0x4];
	[sflag:s24] =	ssyncadd.s32 $0xFFFFC000  }
0x226: {  	[hbm4b:s4+s2] =	stream.linear.scatter [tilespmem:s17], [sflag:$0x5], $0x4000, $0x38;
	[tilespmem:$0x1C800] =	vst v63  }
0x227: {  	_ =	swait.ge [sflag:s25], $0x4000  }
0x228: {  	[sflag:s25] =	ssyncset.done $0x0  }
0x229: {  	[sflag:s25] =	ssyncadd.s32 $0xFFFFC000  }
0x22a: {  	[hbm4b:s6+s2] =	stream.linear.scatter [tilespmem:s19], [sflag:$0x6], $0x4000, $0x38;
	[tilespmem:$0x1C800] =	vst v63  }
0x22b: {  	_ =	swait.ge [sflag:s26], $0x4000  }
0x22c: {  	[sflag:s26] =	ssyncset.done $0x0  }
0x22d: {  	[sflag:s26] =	ssyncadd.s32 $0xFFFFC000  }
0x22e: {  	[hbm4b:s7+s2] =	stream.linear.scatter [tilespmem:s21], [sflag:$0x7], $0x4000, $0x38;
	[tilespmem:$0x1C800] =	vst v63  }
0x22f: {  	_ =	swait.ge [sflag:s28], $0x4000  }
0x230: {  	[sflag:s28] =	ssyncset.done $0x0  }
0x231: {  	[sflag:s28] =	ssyncadd.s32 $0xFFFFC000  }
0x232: {  	[hbm4b:s8+s2] =	stream.linear.scatter [tilespmem:s23], [sflag:$0x8], $0x4000, $0x38;
	[tilespmem:$0x1C800] =	vst v63  }
0x233: {  	_ =	swait.ge [sflag:s29], $0x4000  }
0x234: {  	[sflag:s29] =	ssyncset.done $0x0  }
0x235: {  	[sflag:s29] =	ssyncadd.s32 $0xFFFFC000  }
0x236: {  	_ =	swait.ge [sflag:s30], $0x4000  }
0x237: {  	[sflag:s30] =	ssyncset.done $0x0  }
0x238: {  	s0 =	sadd.s32 $0x1, s0;
	[sflag:s30] =	ssyncadd.s32 $0xFFFFC000  }
0x239: {  	p0 =	sne.s32 s0, s9;
	_ =	swait.ge [sflag:s31], $0x4000  }
.Ltmp2:
0x23a: {  	[sflag:s31] =	ssyncset.done $0x0;
	(pc) =	sbr.rel @p0 .LBB2_1-.Ltmp2, $4  }
0x23b: {  	[sflag:s31] =	ssyncadd.s32 $0xFFFFC000  }
0x23c: {  	_ =	swait.ge [sflag:s1], $0x4000  }
0x23d: {  	[sflag:s1] =	ssyncset.done $0x0  }
0x23e: {  	[sflag:s1] =	ssyncadd.s32 $0xFFFFC000  }
0x23f: {  	_ =	sfence.sel $0x180000  }
0x240: {  	[bflag:$0x0] =	sbarrier.arrive $0xFFFF  }
0x241: {  	_ =	strace $0x90000047  }
0x242: {  	s0 =	stileid.u32;
	[bflag:$0x2] =	sbarrier.arrive $0xFFFF  }
0x243: {  	p0 =	sne.s32 s0, $0x0;
	s0 =	rddreg [dreg:$0x2]  }
0x244: {  	s0 =	sadd.s32 @!p0 $0x100000, s0  }
0x245: {  	[sflag:s0] =	ssyncadd.tile.s32 @!p0 $0x1;
	_ =	shalt  }
.Lfunc_end2:
_tile_overlayer_lowered:
.L_overlay_start_2:
0x246: {  	(tag) =	ssettag $0x2  }
0x247: {  	s0 =	rddreg [dreg:$0x0];
	s2 =	stileid.u32  }
0x248: {  	s1 =	rddreg [dreg:$0x1];
	p0 =	sne.s32 s2, $0x0  }
0x249: {  	s3 =	rddreg [dreg:$0x2];
	[bflag:$0x3] =	sbarrier.arrive $0xFFFF;
	s2 =	simm.s32 @!p0 $0x1C09  }
0x24a: {  	[timem:s3], [sflag:s2] =	dma.local @!p0 [hbm:s0], s1  }
0x24b: {  	s0 =	simm.s32 @!p0 $0x9  }
0x24c: {  	_ =	swait.ge @!p0 [sflag:s0], s1  }
0x24d: {  	s1 =	ssub.s32 @!p0 $0x0, s1;
	[sflag:s0] =	ssyncset.done @!p0 $0x0  }
0x24e: {  	[sflag:s0] =	ssyncadd.s32 @!p0 s1  }
0x24f: {  	[bflag:$0x3] =	sbarrier.arrive $0xFFFF  }
0x250: {  	_ =	shalt  }

</sc_bundles>
